<compile_context>
chip_gen: v7x
topology: tpu7x:2x2x1
jax: 0.10.2.dev20260603
libtpu: 0.0.44.dev20260713+nightly
codegen_flags: <defaults>
</compile_context>

<pallas_src>
import functools

import jax
import jax.numpy as jnp
from jax import lax
from jax.experimental import pallas as pl
from jax.experimental.pallas import tpu as pltpu
from jax.experimental.pallas import tpu_sc as plsc

B = 4096
T = 200
D = 64
VOCAB = 1000000
SCALE = 8.0

_NC = 2
_NS = 16
_NW = _NC * _NS
_BW = B // _NW
_NG = 3

_mesh = plsc.VectorSubcoreMesh(core_axis_name="c", subcore_axis_name="s")


@functools.partial(
    pl.kernel,
    mesh=_mesh,
    compiler_params=pltpu.CompilerParams(use_tc_tiling_on_sc=True,
                                         needs_layout_passes=False),
    out_type=jax.ShapeDtypeStruct((T, D, B), jnp.float32),
    scratch_types=[
        pltpu.VMEM((2, 8, 128), jnp.int32),
        pltpu.VMEM((_NG, 128), jnp.int32),
        pltpu.VMEM((_NG, 128), jnp.int32),
        pltpu.VMEM((_NG, 128, 128), jnp.float32),
        pltpu.VMEM((2, D, 128), jnp.float32),
        pltpu.VMEM((T, D), jnp.float32),
        pltpu.SemaphoreType.DMA((2,)),
        pltpu.SemaphoreType.DMA((_NG,)),
        pltpu.SemaphoreType.DMA((2,)),
    ],
)
def _emb_kernel(xT_hbm, w2_hbm, pos_hbm, out_hbm,
                idxraw_v, row_v, h64_v, g_v, o_v, pos_v,
                sem_i, sem_g, sem_o):
    wid = lax.axis_index("s") * _NC + lax.axis_index("c")
    b0 = wid * _BW

    pltpu.sync_copy(pos_hbm.at[pl.ds(0, T)], pos_v)
    lanes = lax.iota(jnp.int32, 16)
    zero16 = lanes - lanes

    def stage_indices(tile_slot, rr, chunk_slot):
        for g in range(8):
            raw = idxraw_v[tile_slot, rr, pl.ds(16 * g, 16)]
            row_v[chunk_slot, pl.ds(16 * g, 16)] = \
                lax.shift_right_logical(raw, 1)
            h64_v[chunk_slot, pl.ds(16 * g, 16)] = lax.shift_left(raw & 1, 6)

    def fire_gather(chunk_slot):
        pltpu.async_copy(w2_hbm.at[row_v.at[chunk_slot]],
                         g_v.at[chunk_slot], sem_g.at[chunk_slot])

    pltpu.sync_copy(xT_hbm.at[pl.ds(0, 8), pl.ds(b0, _BW)], idxraw_v.at[0])
    stage_indices(0, 0, 0)
    fire_gather(0)
    stage_indices(0, 1, 1)
    fire_gather(1)

    def body_t(t, carry):
        r = lax.rem(t, 8)
        t8 = lax.div(t, 8)
        slot = lax.rem(t, _NG)
        oslot = lax.rem(t, 2)
        nxt2 = t + 2
        nxt2_slot = lax.rem(nxt2, _NG)
        nxt2_tile_slot = lax.rem(lax.div(nxt2, 8), 2)

        @pl.when((r == 0) & (t < 8 * (T // 8 - 1)))
        def _prefetch_idx_tile():
            nt = t8 + 1
            pltpu.async_copy(
                xT_hbm.at[pl.ds(nt * 8, 8), pl.ds(b0, _BW)],
                idxraw_v.at[lax.rem(nt, 2)], sem_i.at[lax.rem(nt, 2)])

        @pl.when(nxt2 < T)
        def _stage_next():
            @pl.when(r == 6)
            def _wait_tile():
                pltpu.make_async_copy(
                    xT_hbm.at[pl.ds(0, 8), pl.ds(b0, _BW)],
                    idxraw_v.at[nxt2_tile_slot],
                    sem_i.at[nxt2_tile_slot]).wait()
            stage_indices(nxt2_tile_slot, lax.rem(nxt2, 8), nxt2_slot)
            fire_gather(nxt2_slot)

        pltpu.make_async_copy(w2_hbm.at[row_v.at[slot]], g_v.at[slot],
                              sem_g.at[slot]).wait()

        @pl.when(t >= 2)
        def _wait_out():
            pltpu.make_async_copy(o_v.at[oslot],
                                  out_hbm.at[0, :, pl.ds(b0, _BW)],
                                  sem_o.at[oslot]).wait()

        gcur = g_v.at[slot]
        bases = [h64_v[slot, pl.ds(16 * g, 16)] +
                 lax.shift_left(16 * g + lanes, 7) for g in range(8)]
        tsplat = jnp.broadcast_to(t, (16,)).astype(jnp.int32)

        @plsc.parallel_loop(0, D, 1, unroll=8)
        def _compute(d):
            dsplat = jnp.broadcast_to(d, (16,))
            p = plsc.load_gather(pos_v, [tsplat, dsplat])
            for g in range(8):
                w = plsc.load_gather(gcur, [zero16, bases[g] + d])
                o_v[oslot, d, pl.ds(16 * g, 16)] = w * SCALE + p

        pltpu.async_copy(o_v.at[oslot], out_hbm.at[t, :, pl.ds(b0, _BW)],
                         sem_o.at[oslot])
        return carry

    lax.fori_loop(0, T, body_t, 0)

    for s in range(2):
        pltpu.make_async_copy(o_v.at[s], out_hbm.at[0, :, pl.ds(b0, _BW)],
                              sem_o.at[s]).wait()


def kernel(x, W_word, W_pos):
    xT = x.T.astype(jnp.int32)
    W2 = W_word.reshape(VOCAB // 2, 2 * D)
    out3 = _emb_kernel(xT, W2, W_pos)
    return jnp.transpose(out3, (2, 0, 1))

# --- scband reference (transcript-rebuilt; emitter-appended) ---
"""Pipeline reference for scband-embedding-layer-16947940950334 (READ-ONLY COPY).

The authoritative reference and input builder live on the scoring server;
editing this copy changes nothing except your own understanding.
"""

import jax, jax.numpy as jnp
import numpy as np

VOCAB = 1000000
EMBED = 64
MAX_LEN = 256
B = 4096
T = 200

def setup_inputs(seed: int = 0) -> dict:
    key = jax.random.key(seed)
    k1, k2, k3 = jax.random.split(key, 3)
    x = jax.random.randint(k1, (B, T), 0, VOCAB, dtype=jnp.int64 if jax.config.jax_enable_x64 else jnp.int32)
    W_word = jax.random.normal(k2, (VOCAB, EMBED), dtype=jnp.float32)
    W_pos = jax.random.normal(k3, (MAX_LEN, EMBED), dtype=jnp.float32)
    return {"x": x, "W_word": W_word, "W_pos": W_pos}

def reference(x, W_word, W_pos):
    # EmbeddingLayer.forward: pos_embed(positions[:, :T]) + word_embed(x) * sqrt(embed_size)
    Tlen = x.shape[1]
    scale = jnp.sqrt(jnp.float32(EMBED))
    pos = jnp.arange(Tlen)
    pos_emb = jnp.take(W_pos, pos, axis=0)[None, :, :]  # (1, T, D)
    word_emb = jnp.take(W_word, x, axis=0)              # (B, T, D)
    embed = pos_emb + word_emb * scale
    # dropout rate is 0.0 -> identity
    return embed

if __name__ == "__main__":
    import jax
    _d = setup_inputs()
    print(jax.jit(kernel)(*tuple(_d.values())))

</pallas_src>

<mosaic_0001>
#map = affine_map<(d0, d1) -> (0, 0)>
#map1 = affine_map<(d0, d1) -> (0, 0, 0)>
module attributes {stable_mosaic.version = 14 : i64} {
  func.func @_emb_kernel(%arg0: i32, %arg1: i32, %arg2: memref<200x4096xi32, #tpu.memory_space<hbm>>, %arg3: memref<500000x128xf32, #tpu.memory_space<hbm>>, %arg4: memref<256x64xf32, #tpu.memory_space<hbm>>, %arg5: memref<200x64x4096xf32, #tpu.memory_space<hbm>>, %arg6: memref<2x8x128xi32, #tpu.memory_space<vmem>>, %arg7: memref<3x128xi32, #tpu.memory_space<vmem>>, %arg8: memref<3x128xi32, #tpu.memory_space<vmem>>, %arg9: memref<3x128x128xf32, #tpu.memory_space<vmem>>, %arg10: memref<2x64x128xf32, #tpu.memory_space<vmem>>, %arg11: memref<200x64xf32, #tpu.memory_space<vmem>>, %arg12: memref<2x!tpu.dma_semaphore, #tpu.memory_space<semaphore_mem>>, %arg13: memref<3x!tpu.dma_semaphore, #tpu.memory_space<semaphore_mem>>, %arg14: memref<2x!tpu.dma_semaphore, #tpu.memory_space<semaphore_mem>>) attributes {dimension_semantics = [#tpu.dimension_semantics<core_parallel>, #tpu.dimension_semantics<subcore_parallel>], iteration_bounds = array<i64: 2, 16>, scalar_prefetch = 0 : i64, scratch_operands = 9 : i64, tpu.core_type = #tpu.core_type<sc_vector_subcore>, window_params = [{transform_indices = #map}, {transform_indices = #map}, {transform_indices = #map}, {transform_indices = #map1}]} {
    %mul3A = arith.constant 2 : i32
    %mul3A_0 = arith.muli %arg1, %mul3A : i32
    %add3A = arith.addi %mul3A_0, %arg0 : i32
    %mul3A_1 = arith.constant 128 : i32
    %mul3A_2 = arith.muli %add3A, %mul3A_1 : i32
    "tpu.region"() ({
      %run_scoped3A_437 = tpu.sem_alloc : memref<!tpu.dma_semaphore, #tpu.memory_space<semaphore_mem>>
      %dma_start3A_438 = arith.constant 0 : i32
      %dma_start3A_439 = arith.constant 0 : i32
      %dma_start3A_440 = tpu.memref_slice %arg4[%dma_start3A_438, %dma_start3A_439] : memref<256x64xf32, #tpu.memory_space<hbm>> -> memref<200x64xf32, #tpu.memory_space<hbm>>
      %dma_start3A_441 = arith.constant 0 : i32
      %dma_start3A_442 = arith.constant 0 : i32
      %dma_start3A_443 = tpu.memref_slice %arg4[%dma_start3A_441, %dma_start3A_442] : memref<256x64xf32, #tpu.memory_space<hbm>> -> memref<200x64xf32, #tpu.memory_space<hbm>>
      tpu.enqueue_dma source(%dma_start3A_443 : memref<200x64xf32, #tpu.memory_space<hbm>>) target(%arg11 : memref<200x64xf32, #tpu.memory_space<vmem>>) target_semaphore(%run_scoped3A_437 : memref<!tpu.dma_semaphore, #tpu.memory_space<semaphore_mem>>)
      %dma_wait3A_444 = arith.constant 0 : i32
      %dma_wait3A_445 = arith.constant 0 : i32
      %dma_wait3A_446 = tpu.memref_slice %arg4[%dma_wait3A_444, %dma_wait3A_445] : memref<256x64xf32, #tpu.memory_space<hbm>> -> memref<200x64xf32, #tpu.memory_space<hbm>>
      %dma_wait3A_447 = arith.constant 0 : i32
      %dma_wait3A_448 = arith.constant 0 : i32
      %dma_wait3A_449 = tpu.memref_slice %arg4[%dma_wait3A_447, %dma_wait3A_448] : memref<256x64xf32, #tpu.memory_space<hbm>> -> memref<200x64xf32, #tpu.memory_space<hbm>>
      tpu.wait_dma2 semaphore(%run_scoped3A_437 : memref<!tpu.dma_semaphore, #tpu.memory_space<semaphore_mem>>) src(%dma_wait3A_449 : memref<200x64xf32, #tpu.memory_space<hbm>>) dst(%arg11 : memref<200x64xf32, #tpu.memory_space<vmem>>)
      tpu.yield
    }) : () -> ()
    %iota3A = tpu.iota {dimensions = array<i32: 0>} : vector<16xi32>
    %sub3A = arith.subi %iota3A, %iota3A : vector<16xi32>
    %run_scoped3A = arith.constant 0 : i32
    "tpu.region"() ({
      %run_scoped3A_437 = tpu.sem_alloc : memref<!tpu.dma_semaphore, #tpu.memory_space<semaphore_mem>>
      %dma_start3A_438 = arith.constant 0 : i32
      %dma_start3A_439 = arith.constant 0 : i32
      %dma_start3A_440 = tpu.memref_slice %arg6[%run_scoped3A, %dma_start3A_438, %dma_start3A_439] : memref<2x8x128xi32, #tpu.memory_space<vmem>> -> memref<1x8x128xi32, #tpu.memory_space<vmem>>
      %dma_start3A_441 = tpu.memref_squeeze %dma_start3A_440 : memref<1x8x128xi32, #tpu.memory_space<vmem>> -> memref<8x128xi32, #tpu.memory_space<vmem>>
      %dma_start3A_442 = arith.constant 0 : i32
      %dma_start3A_443 = tpu.memref_slice %arg2[%dma_start3A_442, %mul3A_2] : memref<200x4096xi32, #tpu.memory_space<hbm>> -> memref<8x128xi32, #tpu.memory_space<hbm>>
      %dma_start3A_444 = arith.constant 0 : i32
      %dma_start3A_445 = arith.constant 0 : i32
      %dma_start3A_446 = tpu.memref_slice %arg6[%run_scoped3A, %dma_start3A_444, %dma_start3A_445] : memref<2x8x128xi32, #tpu.memory_space<vmem>> -> memref<1x8x128xi32, #tpu.memory_space<vmem>>
      %dma_start3A_447 = tpu.memref_squeeze %dma_start3A_446 : memref<1x8x128xi32, #tpu.memory_space<vmem>> -> memref<8x128xi32, #tpu.memory_space<vmem>>
      %dma_start3A_448 = arith.constant 0 : i32
      %dma_start3A_449 = tpu.memref_slice %arg2[%dma_start3A_448, %mul3A_2] : memref<200x4096xi32, #tpu.memory_space<hbm>> -> memref<8x128xi32, #tpu.memory_space<hbm>>
      tpu.enqueue_dma source(%dma_start3A_449 : memref<8x128xi32, #tpu.memory_space<hbm>>) target(%dma_start3A_447 : memref<8x128xi32, #tpu.memory_space<vmem>>) target_semaphore(%run_scoped3A_437 : memref<!tpu.dma_semaphore, #tpu.memory_space<semaphore_mem>>)
      %dma_wait3A_450 = arith.constant 0 : i32
      %dma_wait3A_451 = arith.constant 0 : i32
      %dma_wait3A_452 = tpu.memref_slice %arg6[%run_scoped3A, %dma_wait3A_450, %dma_wait3A_451] : memref<2x8x128xi32, #tpu.memory_space<vmem>> -> memref<1x8x128xi32, #tpu.memory_space<vmem>>
      %dma_wait3A_453 = tpu.memref_squeeze %dma_wait3A_452 : memref<1x8x128xi32, #tpu.memory_space<vmem>> -> memref<8x128xi32, #tpu.memory_space<vmem>>
      %dma_wait3A_454 = arith.constant 0 : i32
      %dma_wait3A_455 = tpu.memref_slice %arg2[%dma_wait3A_454, %mul3A_2] : memref<200x4096xi32, #tpu.memory_space<hbm>> -> memref<8x128xi32, #tpu.memory_space<hbm>>
      %dma_wait3A_456 = arith.constant 0 : i32
      %dma_wait3A_457 = arith.constant 0 : i32
      %dma_wait3A_458 = tpu.memref_slice %arg6[%run_scoped3A, %dma_wait3A_456, %dma_wait3A_457] : memref<2x8x128xi32, #tpu.memory_space<vmem>> -> memref<1x8x128xi32, #tpu.memory_space<vmem>>
      %dma_wait3A_459 = tpu.memref_squeeze %dma_wait3A_458 : memref<1x8x128xi32, #tpu.memory_space<vmem>> -> memref<8x128xi32, #tpu.memory_space<vmem>>
      %dma_wait3A_460 = arith.constant 0 : i32
      %dma_wait3A_461 = tpu.memref_slice %arg2[%dma_wait3A_460, %mul3A_2] : memref<200x4096xi32, #tpu.memory_space<hbm>> -> memref<8x128xi32, #tpu.memory_space<hbm>>
      tpu.wait_dma2 semaphore(%run_scoped3A_437 : memref<!tpu.dma_semaphore, #tpu.memory_space<semaphore_mem>>) src(%dma_wait3A_461 : memref<8x128xi32, #tpu.memory_space<hbm>>) dst(%dma_wait3A_459 : memref<8x128xi32, #tpu.memory_space<vmem>>)
      tpu.yield
    }) : () -> ()
    %get3A = arith.constant 0 : i32
    %get3A_3 = arith.constant 0 : i32
    %get3A_4 = arith.index_cast %get3A : i32 to index
    %get3A_5 = arith.index_cast %get3A_3 : i32 to index
    %get3A_6 = arith.constant 0 : index
    %get3A_7 = tpu.vector_load %arg6[%get3A_4, %get3A_5, %get3A_6] {strides = array<i32>} : memref<2x8x128xi32, #tpu.memory_space<vmem>>, vector<16xi32>,
    %shift_right_logical3A = arith.constant 1 : i32
    %shift_right_logical3A_8 = vector.broadcast %shift_right_logical3A : i32 to vector<16xi32>
    %shift_right_logical3A_9 = arith.shrui %get3A_7, %shift_right_logical3A_8 : vector<16xi32>
    %swap3A = arith.constant 0 : i32
    %swap3A_10 = arith.index_cast %swap3A : i32 to index
    %swap3A_11 = arith.constant 0 : index
    %swap3A_12 = tpu.vector_load %arg7[%swap3A_10, %swap3A_11] {strides = array<i32>} : memref<3x128xi32, #tpu.memory_space<vmem>>, vector<16xi32>,
    tpu.vector_store %arg7[%swap3A_10, %swap3A_11], %shift_right_logical3A_9 {strides = array<i32>} : memref<3x128xi32, #tpu.memory_space<vmem>>, vector<16xi32>,
    %and3A = arith.constant 1 : i32
    %and3A_13 = vector.broadcast %and3A : i32 to vector<16xi32>
    %and3A_14 = arith.andi %get3A_7, %and3A_13 : vector<16xi32>
    %shift_left3A = arith.constant 6 : i32
    %shift_left3A_15 = vector.broadcast %shift_left3A : i32 to vector<16xi32>
    %shift_left3A_16 = arith.shli %and3A_14, %shift_left3A_15 : vector<16xi32>
    %swap3A_17 = arith.constant 0 : i32
    %swap3A_18 = arith.index_cast %swap3A_17 : i32 to index
    %swap3A_19 = arith.constant 0 : index
    %swap3A_20 = tpu.vector_load %arg8[%swap3A_18, %swap3A_19] {strides = array<i32>} : memref<3x128xi32, #tpu.memory_space<vmem>>, vector<16xi32>,
    tpu.vector_store %arg8[%swap3A_18, %swap3A_19], %shift_left3A_16 {strides = array<i32>} : memref<3x128xi32, #tpu.memory_space<vmem>>, vector<16xi32>,
    %get3A_21 = arith.constant 0 : i32
    %get3A_22 = arith.constant 0 : i32
    %get3A_23 = arith.index_cast %get3A_21 : i32 to index
    %get3A_24 = arith.index_cast %get3A_22 : i32 to index
    %get3A_25 = arith.constant 16 : index
    %get3A_26 = tpu.vector_load %arg6[%get3A_23, %get3A_24, %get3A_25] {strides = array<i32>} : memref<2x8x128xi32, #tpu.memory_space<vmem>>, vector<16xi32>,
    %shift_right_logical3A_27 = arith.constant 1 : i32
    %shift_right_logical3A_28 = vector.broadcast %shift_right_logical3A_27 : i32 to vector<16xi32>
    %shift_right_logical3A_29 = arith.shrui %get3A_26, %shift_right_logical3A_28 : vector<16xi32>
    %swap3A_30 = arith.constant 0 : i32
    %swap3A_31 = arith.index_cast %swap3A_30 : i32 to index
    %swap3A_32 = arith.constant 16 : index
    %swap3A_33 = tpu.vector_load %arg7[%swap3A_31, %swap3A_32] {strides = array<i32>} : memref<3x128xi32, #tpu.memory_space<vmem>>, vector<16xi32>,
    tpu.vector_store %arg7[%swap3A_31, %swap3A_32], %shift_right_logical3A_29 {strides = array<i32>} : memref<3x128xi32, #tpu.memory_space<vmem>>, vector<16xi32>,
    %and3A_34 = arith.constant 1 : i32
    %and3A_35 = vector.broadcast %and3A_34 : i32 to vector<16xi32>
    %and3A_36 = arith.andi %get3A_26, %and3A_35 : vector<16xi32>
    %shift_left3A_37 = arith.constant 6 : i32
    %shift_left3A_38 = vector.broadcast %shift_left3A_37 : i32 to vector<16xi32>
    %shift_left3A_39 = arith.shli %and3A_36, %shift_left3A_38 : vector<16xi32>
    %swap3A_40 = arith.constant 0 : i32
    %swap3A_41 = arith.index_cast %swap3A_40 : i32 to index
    %swap3A_42 = arith.constant 16 : index
    %swap3A_43 = tpu.vector_load %arg8[%swap3A_41, %swap3A_42] {strides = array<i32>} : memref<3x128xi32, #tpu.memory_space<vmem>>, vector<16xi32>,
    tpu.vector_store %arg8[%swap3A_41, %swap3A_42], %shift_left3A_39 {strides = array<i32>} : memref<3x128xi32, #tpu.memory_space<vmem>>, vector<16xi32>,
    %get3A_44 = arith.constant 0 : i32
    %get3A_45 = arith.constant 0 : i32
    %get3A_46 = arith.index_cast %get3A_44 : i32 to index
    %get3A_47 = arith.index_cast %get3A_45 : i32 to index
    %get3A_48 = arith.constant 32 : index
    %get3A_49 = tpu.vector_load %arg6[%get3A_46, %get3A_47, %get3A_48] {strides = array<i32>} : memref<2x8x128xi32, #tpu.memory_space<vmem>>, vector<16xi32>,
    %shift_right_logical3A_50 = arith.constant 1 : i32
    %shift_right_logical3A_51 = vector.broadcast %shift_right_logical3A_50 : i32 to vector<16xi32>
    %shift_right_logical3A_52 = arith.shrui %get3A_49, %shift_right_logical3A_51 : vector<16xi32>
    %swap3A_53 = arith.constant 0 : i32
    %swap3A_54 = arith.index_cast %swap3A_53 : i32 to index
    %swap3A_55 = arith.constant 32 : index
    %swap3A_56 = tpu.vector_load %arg7[%swap3A_54, %swap3A_55] {strides = array<i32>} : memref<3x128xi32, #tpu.memory_space<vmem>>, vector<16xi32>,
    tpu.vector_store %arg7[%swap3A_54, %swap3A_55], %shift_right_logical3A_52 {strides = array<i32>} : memref<3x128xi32, #tpu.memory_space<vmem>>, vector<16xi32>,
    %and3A_57 = arith.constant 1 : i32
    %and3A_58 = vector.broadcast %and3A_57 : i32 to vector<16xi32>
    %and3A_59 = arith.andi %get3A_49, %and3A_58 : vector<16xi32>
    %shift_left3A_60 = arith.constant 6 : i32
    %shift_left3A_61 = vector.broadcast %shift_left3A_60 : i32 to vector<16xi32>
    %shift_left3A_62 = arith.shli %and3A_59, %shift_left3A_61 : vector<16xi32>
    %swap3A_63 = arith.constant 0 : i32
    %swap3A_64 = arith.index_cast %swap3A_63 : i32 to index
    %swap3A_65 = arith.constant 32 : index
    %swap3A_66 = tpu.vector_load %arg8[%swap3A_64, %swap3A_65] {strides = array<i32>} : memref<3x128xi32, #tpu.memory_space<vmem>>, vector<16xi32>,
    tpu.vector_store %arg8[%swap3A_64, %swap3A_65], %shift_left3A_62 {strides = array<i32>} : memref<3x128xi32, #tpu.memory_space<vmem>>, vector<16xi32>,
    %get3A_67 = arith.constant 0 : i32
    %get3A_68 = arith.constant 0 : i32
    %get3A_69 = arith.index_cast %get3A_67 : i32 to index
    %get3A_70 = arith.index_cast %get3A_68 : i32 to index
    %get3A_71 = arith.constant 48 : index
    %get3A_72 = tpu.vector_load %arg6[%get3A_69, %get3A_70, %get3A_71] {strides = array<i32>} : memref<2x8x128xi32, #tpu.memory_space<vmem>>, vector<16xi32>,
    %shift_right_logical3A_73 = arith.constant 1 : i32
    %shift_right_logical3A_74 = vector.broadcast %shift_right_logical3A_73 : i32 to vector<16xi32>
    %shift_right_logical3A_75 = arith.shrui %get3A_72, %shift_right_logical3A_74 : vector<16xi32>
    %swap3A_76 = arith.constant 0 : i32
    %swap3A_77 = arith.index_cast %swap3A_76 : i32 to index
    %swap3A_78 = arith.constant 48 : index
    %swap3A_79 = tpu.vector_load %arg7[%swap3A_77, %swap3A_78] {strides = array<i32>} : memref<3x128xi32, #tpu.memory_space<vmem>>, vector<16xi32>,
    tpu.vector_store %arg7[%swap3A_77, %swap3A_78], %shift_right_logical3A_75 {strides = array<i32>} : memref<3x128xi32, #tpu.memory_space<vmem>>, vector<16xi32>,
    %and3A_80 = arith.constant 1 : i32
    %and3A_81 = vector.broadcast %and3A_80 : i32 to vector<16xi32>
    %and3A_82 = arith.andi %get3A_72, %and3A_81 : vector<16xi32>
    %shift_left3A_83 = arith.constant 6 : i32
    %shift_left3A_84 = vector.broadcast %shift_left3A_83 : i32 to vector<16xi32>
    %shift_left3A_85 = arith.shli %and3A_82, %shift_left3A_84 : vector<16xi32>
    %swap3A_86 = arith.constant 0 : i32
    %swap3A_87 = arith.index_cast %swap3A_86 : i32 to index
    %swap3A_88 = arith.constant 48 : index
    %swap3A_89 = tpu.vector_load %arg8[%swap3A_87, %swap3A_88] {strides = array<i32>} : memref<3x128xi32, #tpu.memory_space<vmem>>, vector<16xi32>,
    tpu.vector_store %arg8[%swap3A_87, %swap3A_88], %shift_left3A_85 {strides = array<i32>} : memref<3x128xi32, #tpu.memory_space<vmem>>, vector<16xi32>,
    %get3A_90 = arith.constant 0 : i32
    %get3A_91 = arith.constant 0 : i32
    %get3A_92 = arith.index_cast %get3A_90 : i32 to index
    %get3A_93 = arith.index_cast %get3A_91 : i32 to index
    %get3A_94 = arith.constant 64 : index
    %get3A_95 = tpu.vector_load %arg6[%get3A_92, %get3A_93, %get3A_94] {strides = array<i32>} : memref<2x8x128xi32, #tpu.memory_space<vmem>>, vector<16xi32>,
    %shift_right_logical3A_96 = arith.constant 1 : i32
    %shift_right_logical3A_97 = vector.broadcast %shift_right_logical3A_96 : i32 to vector<16xi32>
    %shift_right_logical3A_98 = arith.shrui %get3A_95, %shift_right_logical3A_97 : vector<16xi32>
    %swap3A_99 = arith.constant 0 : i32
    %swap3A_100 = arith.index_cast %swap3A_99 : i32 to index
    %swap3A_101 = arith.constant 64 : index
    %swap3A_102 = tpu.vector_load %arg7[%swap3A_100, %swap3A_101] {strides = array<i32>} : memref<3x128xi32, #tpu.memory_space<vmem>>, vector<16xi32>,
    tpu.vector_store %arg7[%swap3A_100, %swap3A_101], %shift_right_logical3A_98 {strides = array<i32>} : memref<3x128xi32, #tpu.memory_space<vmem>>, vector<16xi32>,
    %and3A_103 = arith.constant 1 : i32
    %and3A_104 = vector.broadcast %and3A_103 : i32 to vector<16xi32>
    %and3A_105 = arith.andi %get3A_95, %and3A_104 : vector<16xi32>
    %shift_left3A_106 = arith.constant 6 : i32
    %shift_left3A_107 = vector.broadcast %shift_left3A_106 : i32 to vector<16xi32>
    %shift_left3A_108 = arith.shli %and3A_105, %shift_left3A_107 : vector<16xi32>
    %swap3A_109 = arith.constant 0 : i32
    %swap3A_110 = arith.index_cast %swap3A_109 : i32 to index
    %swap3A_111 = arith.constant 64 : index
    %swap3A_112 = tpu.vector_load %arg8[%swap3A_110, %swap3A_111] {strides = array<i32>} : memref<3x128xi32, #tpu.memory_space<vmem>>, vector<16xi32>,
    tpu.vector_store %arg8[%swap3A_110, %swap3A_111], %shift_left3A_108 {strides = array<i32>} : memref<3x128xi32, #tpu.memory_space<vmem>>, vector<16xi32>,
    %get3A_113 = arith.constant 0 : i32
    %get3A_114 = arith.constant 0 : i32
    %get3A_115 = arith.index_cast %get3A_113 : i32 to index
    %get3A_116 = arith.index_cast %get3A_114 : i32 to index
    %get3A_117 = arith.constant 80 : index
    %get3A_118 = tpu.vector_load %arg6[%get3A_115, %get3A_116, %get3A_117] {strides = array<i32>} : memref<2x8x128xi32, #tpu.memory_space<vmem>>, vector<16xi32>,
    %shift_right_logical3A_119 = arith.constant 1 : i32
    %shift_right_logical3A_120 = vector.broadcast %shift_right_logical3A_119 : i32 to vector<16xi32>
    %shift_right_logical3A_121 = arith.shrui %get3A_118, %shift_right_logical3A_120 : vector<16xi32>
    %swap3A_122 = arith.constant 0 : i32
    %swap3A_123 = arith.index_cast %swap3A_122 : i32 to index
    %swap3A_124 = arith.constant 80 : index
    %swap3A_125 = tpu.vector_load %arg7[%swap3A_123, %swap3A_124] {strides = array<i32>} : memref<3x128xi32, #tpu.memory_space<vmem>>, vector<16xi32>,
    tpu.vector_store %arg7[%swap3A_123, %swap3A_124], %shift_right_logical3A_121 {strides = array<i32>} : memref<3x128xi32, #tpu.memory_space<vmem>>, vector<16xi32>,
    %and3A_126 = arith.constant 1 : i32
    %and3A_127 = vector.broadcast %and3A_126 : i32 to vector<16xi32>
    %and3A_128 = arith.andi %get3A_118, %and3A_127 : vector<16xi32>
    %shift_left3A_129 = arith.constant 6 : i32
    %shift_left3A_130 = vector.broadcast %shift_left3A_129 : i32 to vector<16xi32>
    %shift_left3A_131 = arith.shli %and3A_128, %shift_left3A_130 : vector<16xi32>
    %swap3A_132 = arith.constant 0 : i32
    %swap3A_133 = arith.index_cast %swap3A_132 : i32 to index
    %swap3A_134 = arith.constant 80 : index
    %swap3A_135 = tpu.vector_load %arg8[%swap3A_133, %swap3A_134] {strides = array<i32>} : memref<3x128xi32, #tpu.memory_space<vmem>>, vector<16xi32>,
    tpu.vector_store %arg8[%swap3A_133, %swap3A_134], %shift_left3A_131 {strides = array<i32>} : memref<3x128xi32, #tpu.memory_space<vmem>>, vector<16xi32>,
    %get3A_136 = arith.constant 0 : i32
    %get3A_137 = arith.constant 0 : i32
    %get3A_138 = arith.index_cast %get3A_136 : i32 to index
    %get3A_139 = arith.index_cast %get3A_137 : i32 to index
    %get3A_140 = arith.constant 96 : index
    %get3A_141 = tpu.vector_load %arg6[%get3A_138, %get3A_139, %get3A_140] {strides = array<i32>} : memref<2x8x128xi32, #tpu.memory_space<vmem>>, vector<16xi32>,
    %shift_right_logical3A_142 = arith.constant 1 : i32
    %shift_right_logical3A_143 = vector.broadcast %shift_right_logical3A_142 : i32 to vector<16xi32>
    %shift_right_logical3A_144 = arith.shrui %get3A_141, %shift_right_logical3A_143 : vector<16xi32>
    %swap3A_145 = arith.constant 0 : i32
    %swap3A_146 = arith.index_cast %swap3A_145 : i32 to index
    %swap3A_147 = arith.constant 96 : index
    %swap3A_148 = tpu.vector_load %arg7[%swap3A_146, %swap3A_147] {strides = array<i32>} : memref<3x128xi32, #tpu.memory_space<vmem>>, vector<16xi32>,
    tpu.vector_store %arg7[%swap3A_146, %swap3A_147], %shift_right_logical3A_144 {strides = array<i32>} : memref<3x128xi32, #tpu.memory_space<vmem>>, vector<16xi32>,
    %and3A_149 = arith.constant 1 : i32
    %and3A_150 = vector.broadcast %and3A_149 : i32 to vector<16xi32>
    %and3A_151 = arith.andi %get3A_141, %and3A_150 : vector<16xi32>
    %shift_left3A_152 = arith.constant 6 : i32
    %shift_left3A_153 = vector.broadcast %shift_left3A_152 : i32 to vector<16xi32>
    %shift_left3A_154 = arith.shli %and3A_151, %shift_left3A_153 : vector<16xi32>
    %swap3A_155 = arith.constant 0 : i32
    %swap3A_156 = arith.index_cast %swap3A_155 : i32 to index
    %swap3A_157 = arith.constant 96 : index
    %swap3A_158 = tpu.vector_load %arg8[%swap3A_156, %swap3A_157] {strides = array<i32>} : memref<3x128xi32, #tpu.memory_space<vmem>>, vector<16xi32>,
    tpu.vector_store %arg8[%swap3A_156, %swap3A_157], %shift_left3A_154 {strides = array<i32>} : memref<3x128xi32, #tpu.memory_space<vmem>>, vector<16xi32>,
    %get3A_159 = arith.constant 0 : i32
    %get3A_160 = arith.constant 0 : i32
    %get3A_161 = arith.index_cast %get3A_159 : i32 to index
    %get3A_162 = arith.index_cast %get3A_160 : i32 to index
    %get3A_163 = arith.constant 112 : index
    %get3A_164 = tpu.vector_load %arg6[%get3A_161, %get3A_162, %get3A_163] {strides = array<i32>} : memref<2x8x128xi32, #tpu.memory_space<vmem>>, vector<16xi32>,
    %shift_right_logical3A_165 = arith.constant 1 : i32
    %shift_right_logical3A_166 = vector.broadcast %shift_right_logical3A_165 : i32 to vector<16xi32>
    %shift_right_logical3A_167 = arith.shrui %get3A_164, %shift_right_logical3A_166 : vector<16xi32>
    %swap3A_168 = arith.constant 0 : i32
    %swap3A_169 = arith.index_cast %swap3A_168 : i32 to index
    %swap3A_170 = arith.constant 112 : index
    %swap3A_171 = tpu.vector_load %arg7[%swap3A_169, %swap3A_170] {strides = array<i32>} : memref<3x128xi32, #tpu.memory_space<vmem>>, vector<16xi32>,
    tpu.vector_store %arg7[%swap3A_169, %swap3A_170], %shift_right_logical3A_167 {strides = array<i32>} : memref<3x128xi32, #tpu.memory_space<vmem>>, vector<16xi32>,
    %and3A_172 = arith.constant 1 : i32
    %and3A_173 = vector.broadcast %and3A_172 : i32 to vector<16xi32>
    %and3A_174 = arith.andi %get3A_164, %and3A_173 : vector<16xi32>
    %shift_left3A_175 = arith.constant 6 : i32
    %shift_left3A_176 = vector.broadcast %shift_left3A_175 : i32 to vector<16xi32>
    %shift_left3A_177 = arith.shli %and3A_174, %shift_left3A_176 : vector<16xi32>
    %swap3A_178 = arith.constant 0 : i32
    %swap3A_179 = arith.index_cast %swap3A_178 : i32 to index
    %swap3A_180 = arith.constant 112 : index
    %swap3A_181 = tpu.vector_load %arg8[%swap3A_179, %swap3A_180] {strides = array<i32>} : memref<3x128xi32, #tpu.memory_space<vmem>>, vector<16xi32>,
    tpu.vector_store %arg8[%swap3A_179, %swap3A_180], %shift_left3A_177 {strides = array<i32>} : memref<3x128xi32, #tpu.memory_space<vmem>>, vector<16xi32>,
    %dma_start3A = arith.constant 0 : i32
    %dma_start3A_182 = arith.constant 0 : i32
    %dma_start3A_183 = arith.constant 0 : i32
    %dma_start3A_184 = arith.constant 0 : i32
    %dma_start3A_185 = arith.constant 0 : i32
    %dma_start3A_186 = tpu.memref_slice %arg9[%dma_start3A_182, %dma_start3A_184, %dma_start3A_185] : memref<3x128x128xf32, #tpu.memory_space<vmem>> -> memref<1x128x128xf32, #tpu.memory_space<vmem>>
    %dma_start3A_187 = tpu.memref_squeeze %dma_start3A_186 : memref<1x128x128xf32, #tpu.memory_space<vmem>> -> memref<128x128xf32, #tpu.memory_space<vmem>>
    %dma_start3A_188 = arith.constant 0 : i32
    %dma_start3A_189 = tpu.memref_slice %arg7[%dma_start3A, %dma_start3A_188] : memref<3x128xi32, #tpu.memory_space<vmem>> -> memref<1x128xi32, #tpu.memory_space<vmem>>
    %dma_start3A_190 = tpu.memref_squeeze %dma_start3A_189 : memref<1x128xi32, #tpu.memory_space<vmem>> -> memref<128xi32, #tpu.memory_space<vmem>>
    %dma_start3A_191 = arith.constant 0 : i32
    %dma_start3A_192 = arith.constant 0 : i32
    %dma_start3A_193 = tpu.memref_slice %arg3[%dma_start3A_191, %dma_start3A_192] : memref<500000x128xf32, #tpu.memory_space<hbm>> -> memref<500000x128xf32, #tpu.memory_space<hbm>>
    %dma_start3A_194 = tpu.memref_slice %arg13[%dma_start3A_183] : memref<3x!tpu.dma_semaphore, #tpu.memory_space<semaphore_mem>> -> memref<1x!tpu.dma_semaphore, #tpu.memory_space<semaphore_mem>>
    %dma_start3A_195 = tpu.memref_squeeze %dma_start3A_194 : memref<1x!tpu.dma_semaphore, #tpu.memory_space<semaphore_mem>> -> memref<!tpu.dma_semaphore, #tpu.memory_space<semaphore_mem>>
    tpu.enqueue_indirect_dma source(%dma_start3A_193 : memref<500000x128xf32, #tpu.memory_space<hbm>>) target(%dma_start3A_187 : memref<128x128xf32, #tpu.memory_space<vmem>>) offsets(%dma_start3A_190 : memref<128xi32, #tpu.memory_space<vmem>>) semaphore(%dma_start3A_195 : memref<!tpu.dma_semaphore, #tpu.memory_space<semaphore_mem>>)
    %get3A_196 = arith.constant 0 : i32
    %get3A_197 = arith.constant 1 : i32
    %get3A_198 = arith.index_cast %get3A_196 : i32 to index
    %get3A_199 = arith.index_cast %get3A_197 : i32 to index
    %get3A_200 = arith.constant 0 : index
    %get3A_201 = tpu.vector_load %arg6[%get3A_198, %get3A_199, %get3A_200] {strides = array<i32>} : memref<2x8x128xi32, #tpu.memory_space<vmem>>, vector<16xi32>,
    %shift_right_logical3A_202 = arith.constant 1 : i32
    %shift_right_logical3A_203 = vector.broadcast %shift_right_logical3A_202 : i32 to vector<16xi32>
    %shift_right_logical3A_204 = arith.shrui %get3A_201, %shift_right_logical3A_203 : vector<16xi32>
    %swap3A_205 = arith.constant 1 : i32
    %swap3A_206 = arith.index_cast %swap3A_205 : i32 to index
    %swap3A_207 = arith.constant 0 : index
    %swap3A_208 = tpu.vector_load %arg7[%swap3A_206, %swap3A_207] {strides = array<i32>} : memref<3x128xi32, #tpu.memory_space<vmem>>, vector<16xi32>,
    tpu.vector_store %arg7[%swap3A_206, %swap3A_207], %shift_right_logical3A_204 {strides = array<i32>} : memref<3x128xi32, #tpu.memory_space<vmem>>, vector<16xi32>,
    %and3A_209 = arith.constant 1 : i32
    %and3A_210 = vector.broadcast %and3A_209 : i32 to vector<16xi32>
    %and3A_211 = arith.andi %get3A_201, %and3A_210 : vector<16xi32>
    %shift_left3A_212 = arith.constant 6 : i32
    %shift_left3A_213 = vector.broadcast %shift_left3A_212 : i32 to vector<16xi32>
    %shift_left3A_214 = arith.shli %and3A_211, %shift_left3A_213 : vector<16xi32>
    %swap3A_215 = arith.constant 1 : i32
    %swap3A_216 = arith.index_cast %swap3A_215 : i32 to index
    %swap3A_217 = arith.constant 0 : index
    %swap3A_218 = tpu.vector_load %arg8[%swap3A_216, %swap3A_217] {strides = array<i32>} : memref<3x128xi32, #tpu.memory_space<vmem>>, vector<16xi32>,
    tpu.vector_store %arg8[%swap3A_216, %swap3A_217], %shift_left3A_214 {strides = array<i32>} : memref<3x128xi32, #tpu.memory_space<vmem>>, vector<16xi32>,
    %get3A_219 = arith.constant 0 : i32
    %get3A_220 = arith.constant 1 : i32
    %get3A_221 = arith.index_cast %get3A_219 : i32 to index
    %get3A_222 = arith.index_cast %get3A_220 : i32 to index
    %get3A_223 = arith.constant 16 : index
    %get3A_224 = tpu.vector_load %arg6[%get3A_221, %get3A_222, %get3A_223] {strides = array<i32>} : memref<2x8x128xi32, #tpu.memory_space<vmem>>, vector<16xi32>,
    %shift_right_logical3A_225 = arith.constant 1 : i32
    %shift_right_logical3A_226 = vector.broadcast %shift_right_logical3A_225 : i32 to vector<16xi32>
    %shift_right_logical3A_227 = arith.shrui %get3A_224, %shift_right_logical3A_226 : vector<16xi32>
    %swap3A_228 = arith.constant 1 : i32
    %swap3A_229 = arith.index_cast %swap3A_228 : i32 to index
    %swap3A_230 = arith.constant 16 : index
    %swap3A_231 = tpu.vector_load %arg7[%swap3A_229, %swap3A_230] {strides = array<i32>} : memref<3x128xi32, #tpu.memory_space<vmem>>, vector<16xi32>,
    tpu.vector_store %arg7[%swap3A_229, %swap3A_230], %shift_right_logical3A_227 {strides = array<i32>} : memref<3x128xi32, #tpu.memory_space<vmem>>, vector<16xi32>,
    %and3A_232 = arith.constant 1 : i32
    %and3A_233 = vector.broadcast %and3A_232 : i32 to vector<16xi32>
    %and3A_234 = arith.andi %get3A_224, %and3A_233 : vector<16xi32>
    %shift_left3A_235 = arith.constant 6 : i32
    %shift_left3A_236 = vector.broadcast %shift_left3A_235 : i32 to vector<16xi32>
    %shift_left3A_237 = arith.shli %and3A_234, %shift_left3A_236 : vector<16xi32>
    %swap3A_238 = arith.constant 1 : i32
    %swap3A_239 = arith.index_cast %swap3A_238 : i32 to index
    %swap3A_240 = arith.constant 16 : index
    %swap3A_241 = tpu.vector_load %arg8[%swap3A_239, %swap3A_240] {strides = array<i32>} : memref<3x128xi32, #tpu.memory_space<vmem>>, vector<16xi32>,
    tpu.vector_store %arg8[%swap3A_239, %swap3A_240], %shift_left3A_237 {strides = array<i32>} : memref<3x128xi32, #tpu.memory_space<vmem>>, vector<16xi32>,
    %get3A_242 = arith.constant 0 : i32
    %get3A_243 = arith.constant 1 : i32
    %get3A_244 = arith.index_cast %get3A_242 : i32 to index
    %get3A_245 = arith.index_cast %get3A_243 : i32 to index
    %get3A_246 = arith.constant 32 : index
    %get3A_247 = tpu.vector_load %arg6[%get3A_244, %get3A_245, %get3A_246] {strides = array<i32>} : memref<2x8x128xi32, #tpu.memory_space<vmem>>, vector<16xi32>,
    %shift_right_logical3A_248 = arith.constant 1 : i32
    %shift_right_logical3A_249 = vector.broadcast %shift_right_logical3A_248 : i32 to vector<16xi32>
    %shift_right_logical3A_250 = arith.shrui %get3A_247, %shift_right_logical3A_249 : vector<16xi32>
    %swap3A_251 = arith.constant 1 : i32
    %swap3A_252 = arith.index_cast %swap3A_251 : i32 to index
    %swap3A_253 = arith.constant 32 : index
    %swap3A_254 = tpu.vector_load %arg7[%swap3A_252, %swap3A_253] {strides = array<i32>} : memref<3x128xi32, #tpu.memory_space<vmem>>, vector<16xi32>,
    tpu.vector_store %arg7[%swap3A_252, %swap3A_253], %shift_right_logical3A_250 {strides = array<i32>} : memref<3x128xi32, #tpu.memory_space<vmem>>, vector<16xi32>,
    %and3A_255 = arith.constant 1 : i32
    %and3A_256 = vector.broadcast %and3A_255 : i32 to vector<16xi32>
    %and3A_257 = arith.andi %get3A_247, %and3A_256 : vector<16xi32>
    %shift_left3A_258 = arith.constant 6 : i32
    %shift_left3A_259 = vector.broadcast %shift_left3A_258 : i32 to vector<16xi32>
    %shift_left3A_260 = arith.shli %and3A_257, %shift_left3A_259 : vector<16xi32>
    %swap3A_261 = arith.constant 1 : i32
    %swap3A_262 = arith.index_cast %swap3A_261 : i32 to index
    %swap3A_263 = arith.constant 32 : index
    %swap3A_264 = tpu.vector_load %arg8[%swap3A_262, %swap3A_263] {strides = array<i32>} : memref<3x128xi32, #tpu.memory_space<vmem>>, vector<16xi32>,
    tpu.vector_store %arg8[%swap3A_262, %swap3A_263], %shift_left3A_260 {strides = array<i32>} : memref<3x128xi32, #tpu.memory_space<vmem>>, vector<16xi32>,
    %get3A_265 = arith.constant 0 : i32
    %get3A_266 = arith.constant 1 : i32
    %get3A_267 = arith.index_cast %get3A_265 : i32 to index
    %get3A_268 = arith.index_cast %get3A_266 : i32 to index
    %get3A_269 = arith.constant 48 : index
    %get3A_270 = tpu.vector_load %arg6[%get3A_267, %get3A_268, %get3A_269] {strides = array<i32>} : memref<2x8x128xi32, #tpu.memory_space<vmem>>, vector<16xi32>,
    %shift_right_logical3A_271 = arith.constant 1 : i32
    %shift_right_logical3A_272 = vector.broadcast %shift_right_logical3A_271 : i32 to vector<16xi32>
    %shift_right_logical3A_273 = arith.shrui %get3A_270, %shift_right_logical3A_272 : vector<16xi32>
    %swap3A_274 = arith.constant 1 : i32
    %swap3A_275 = arith.index_cast %swap3A_274 : i32 to index
    %swap3A_276 = arith.constant 48 : index
    %swap3A_277 = tpu.vector_load %arg7[%swap3A_275, %swap3A_276] {strides = array<i32>} : memref<3x128xi32, #tpu.memory_space<vmem>>, vector<16xi32>,
    tpu.vector_store %arg7[%swap3A_275, %swap3A_276], %shift_right_logical3A_273 {strides = array<i32>} : memref<3x128xi32, #tpu.memory_space<vmem>>, vector<16xi32>,
    %and3A_278 = arith.constant 1 : i32
    %and3A_279 = vector.broadcast %and3A_278 : i32 to vector<16xi32>
    %and3A_280 = arith.andi %get3A_270, %and3A_279 : vector<16xi32>
    %shift_left3A_281 = arith.constant 6 : i32
    %shift_left3A_282 = vector.broadcast %shift_left3A_281 : i32 to vector<16xi32>
    %shift_left3A_283 = arith.shli %and3A_280, %shift_left3A_282 : vector<16xi32>
    %swap3A_284 = arith.constant 1 : i32
    %swap3A_285 = arith.index_cast %swap3A_284 : i32 to index
    %swap3A_286 = arith.constant 48 : index
    %swap3A_287 = tpu.vector_load %arg8[%swap3A_285, %swap3A_286] {strides = array<i32>} : memref<3x128xi32, #tpu.memory_space<vmem>>, vector<16xi32>,
    tpu.vector_store %arg8[%swap3A_285, %swap3A_286], %shift_left3A_283 {strides = array<i32>} : memref<3x128xi32, #tpu.memory_space<vmem>>, vector<16xi32>,
    %get3A_288 = arith.constant 0 : i32
    %get3A_289 = arith.constant 1 : i32
    %get3A_290 = arith.index_cast %get3A_288 : i32 to index
    %get3A_291 = arith.index_cast %get3A_289 : i32 to index
    %get3A_292 = arith.constant 64 : index
    %get3A_293 = tpu.vector_load %arg6[%get3A_290, %get3A_291, %get3A_292] {strides = array<i32>} : memref<2x8x128xi32, #tpu.memory_space<vmem>>, vector<16xi32>,
    %shift_right_logical3A_294 = arith.constant 1 : i32
    %shift_right_logical3A_295 = vector.broadcast %shift_right_logical3A_294 : i32 to vector<16xi32>
    %shift_right_logical3A_296 = arith.shrui %get3A_293, %shift_right_logical3A_295 : vector<16xi32>
    %swap3A_297 = arith.constant 1 : i32
    %swap3A_298 = arith.index_cast %swap3A_297 : i32 to index
    %swap3A_299 = arith.constant 64 : index
    %swap3A_300 = tpu.vector_load %arg7[%swap3A_298, %swap3A_299] {strides = array<i32>} : memref<3x128xi32, #tpu.memory_space<vmem>>, vector<16xi32>,
    tpu.vector_store %arg7[%swap3A_298, %swap3A_299], %shift_right_logical3A_296 {strides = array<i32>} : memref<3x128xi32, #tpu.memory_space<vmem>>, vector<16xi32>,
    %and3A_301 = arith.constant 1 : i32
    %and3A_302 = vector.broadcast %and3A_301 : i32 to vector<16xi32>
    %and3A_303 = arith.andi %get3A_293, %and3A_302 : vector<16xi32>
    %shift_left3A_304 = arith.constant 6 : i32
    %shift_left3A_305 = vector.broadcast %shift_left3A_304 : i32 to vector<16xi32>
    %shift_left3A_306 = arith.shli %and3A_303, %shift_left3A_305 : vector<16xi32>
    %swap3A_307 = arith.constant 1 : i32
    %swap3A_308 = arith.index_cast %swap3A_307 : i32 to index
    %swap3A_309 = arith.constant 64 : index
    %swap3A_310 = tpu.vector_load %arg8[%swap3A_308, %swap3A_309] {strides = array<i32>} : memref<3x128xi32, #tpu.memory_space<vmem>>, vector<16xi32>,
    tpu.vector_store %arg8[%swap3A_308, %swap3A_309], %shift_left3A_306 {strides = array<i32>} : memref<3x128xi32, #tpu.memory_space<vmem>>, vector<16xi32>,
    %get3A_311 = arith.constant 0 : i32
    %get3A_312 = arith.constant 1 : i32
    %get3A_313 = arith.index_cast %get3A_311 : i32 to index
    %get3A_314 = arith.index_cast %get3A_312 : i32 to index
    %get3A_315 = arith.constant 80 : index
    %get3A_316 = tpu.vector_load %arg6[%get3A_313, %get3A_314, %get3A_315] {strides = array<i32>} : memref<2x8x128xi32, #tpu.memory_space<vmem>>, vector<16xi32>,
    %shift_right_logical3A_317 = arith.constant 1 : i32
    %shift_right_logical3A_318 = vector.broadcast %shift_right_logical3A_317 : i32 to vector<16xi32>
    %shift_right_logical3A_319 = arith.shrui %get3A_316, %shift_right_logical3A_318 : vector<16xi32>
    %swap3A_320 = arith.constant 1 : i32
    %swap3A_321 = arith.index_cast %swap3A_320 : i32 to index
    %swap3A_322 = arith.constant 80 : index
    %swap3A_323 = tpu.vector_load %arg7[%swap3A_321, %swap3A_322] {strides = array<i32>} : memref<3x128xi32, #tpu.memory_space<vmem>>, vector<16xi32>,
    tpu.vector_store %arg7[%swap3A_321, %swap3A_322], %shift_right_logical3A_319 {strides = array<i32>} : memref<3x128xi32, #tpu.memory_space<vmem>>, vector<16xi32>,
    %and3A_324 = arith.constant 1 : i32
    %and3A_325 = vector.broadcast %and3A_324 : i32 to vector<16xi32>
    %and3A_326 = arith.andi %get3A_316, %and3A_325 : vector<16xi32>
    %shift_left3A_327 = arith.constant 6 : i32
    %shift_left3A_328 = vector.broadcast %shift_left3A_327 : i32 to vector<16xi32>
    %shift_left3A_329 = arith.shli %and3A_326, %shift_left3A_328 : vector<16xi32>
    %swap3A_330 = arith.constant 1 : i32
    %swap3A_331 = arith.index_cast %swap3A_330 : i32 to index
    %swap3A_332 = arith.constant 80 : index
    %swap3A_333 = tpu.vector_load %arg8[%swap3A_331, %swap3A_332] {strides = array<i32>} : memref<3x128xi32, #tpu.memory_space<vmem>>, vector<16xi32>,
    tpu.vector_store %arg8[%swap3A_331, %swap3A_332], %shift_left3A_329 {strides = array<i32>} : memref<3x128xi32, #tpu.memory_space<vmem>>, vector<16xi32>,
    %get3A_334 = arith.constant 0 : i32
    %get3A_335 = arith.constant 1 : i32
    %get3A_336 = arith.index_cast %get3A_334 : i32 to index
    %get3A_337 = arith.index_cast %get3A_335 : i32 to index
    %get3A_338 = arith.constant 96 : index
    %get3A_339 = tpu.vector_load %arg6[%get3A_336, %get3A_337, %get3A_338] {strides = array<i32>} : memref<2x8x128xi32, #tpu.memory_space<vmem>>, vector<16xi32>,
    %shift_right_logical3A_340 = arith.constant 1 : i32
    %shift_right_logical3A_341 = vector.broadcast %shift_right_logical3A_340 : i32 to vector<16xi32>
    %shift_right_logical3A_342 = arith.shrui %get3A_339, %shift_right_logical3A_341 : vector<16xi32>
    %swap3A_343 = arith.constant 1 : i32
    %swap3A_344 = arith.index_cast %swap3A_343 : i32 to index
    %swap3A_345 = arith.constant 96 : index
    %swap3A_346 = tpu.vector_load %arg7[%swap3A_344, %swap3A_345] {strides = array<i32>} : memref<3x128xi32, #tpu.memory_space<vmem>>, vector<16xi32>,
    tpu.vector_store %arg7[%swap3A_344, %swap3A_345], %shift_right_logical3A_342 {strides = array<i32>} : memref<3x128xi32, #tpu.memory_space<vmem>>, vector<16xi32>,
    %and3A_347 = arith.constant 1 : i32
    %and3A_348 = vector.broadcast %and3A_347 : i32 to vector<16xi32>
    %and3A_349 = arith.andi %get3A_339, %and3A_348 : vector<16xi32>
    %shift_left3A_350 = arith.constant 6 : i32
    %shift_left3A_351 = vector.broadcast %shift_left3A_350 : i32 to vector<16xi32>
    %shift_left3A_352 = arith.shli %and3A_349, %shift_left3A_351 : vector<16xi32>
    %swap3A_353 = arith.constant 1 : i32
    %swap3A_354 = arith.index_cast %swap3A_353 : i32 to index
    %swap3A_355 = arith.constant 96 : index
    %swap3A_356 = tpu.vector_load %arg8[%swap3A_354, %swap3A_355] {strides = array<i32>} : memref<3x128xi32, #tpu.memory_space<vmem>>, vector<16xi32>,
    tpu.vector_store %arg8[%swap3A_354, %swap3A_355], %shift_left3A_352 {strides = array<i32>} : memref<3x128xi32, #tpu.memory_space<vmem>>, vector<16xi32>,
    %get3A_357 = arith.constant 0 : i32
    %get3A_358 = arith.constant 1 : i32
    %get3A_359 = arith.index_cast %get3A_357 : i32 to index
    %get3A_360 = arith.index_cast %get3A_358 : i32 to index
    %get3A_361 = arith.constant 112 : index
    %get3A_362 = tpu.vector_load %arg6[%get3A_359, %get3A_360, %get3A_361] {strides = array<i32>} : memref<2x8x128xi32, #tpu.memory_space<vmem>>, vector<16xi32>,
    %shift_right_logical3A_363 = arith.constant 1 : i32
    %shift_right_logical3A_364 = vector.broadcast %shift_right_logical3A_363 : i32 to vector<16xi32>
    %shift_right_logical3A_365 = arith.shrui %get3A_362, %shift_right_logical3A_364 : vector<16xi32>
    %swap3A_366 = arith.constant 1 : i32
    %swap3A_367 = arith.index_cast %swap3A_366 : i32 to index
    %swap3A_368 = arith.constant 112 : index
    %swap3A_369 = tpu.vector_load %arg7[%swap3A_367, %swap3A_368] {strides = array<i32>} : memref<3x128xi32, #tpu.memory_space<vmem>>, vector<16xi32>,
    tpu.vector_store %arg7[%swap3A_367, %swap3A_368], %shift_right_logical3A_365 {strides = array<i32>} : memref<3x128xi32, #tpu.memory_space<vmem>>, vector<16xi32>,
    %and3A_370 = arith.constant 1 : i32
    %and3A_371 = vector.broadcast %and3A_370 : i32 to vector<16xi32>
    %and3A_372 = arith.andi %get3A_362, %and3A_371 : vector<16xi32>
    %shift_left3A_373 = arith.constant 6 : i32
    %shift_left3A_374 = vector.broadcast %shift_left3A_373 : i32 to vector<16xi32>
    %shift_left3A_375 = arith.shli %and3A_372, %shift_left3A_374 : vector<16xi32>
    %swap3A_376 = arith.constant 1 : i32
    %swap3A_377 = arith.index_cast %swap3A_376 : i32 to index
    %swap3A_378 = arith.constant 112 : index
    %swap3A_379 = tpu.vector_load %arg8[%swap3A_377, %swap3A_378] {strides = array<i32>} : memref<3x128xi32, #tpu.memory_space<vmem>>, vector<16xi32>,
    tpu.vector_store %arg8[%swap3A_377, %swap3A_378], %shift_left3A_375 {strides = array<i32>} : memref<3x128xi32, #tpu.memory_space<vmem>>, vector<16xi32>,
    %dma_start3A_380 = arith.constant 1 : i32
    %dma_start3A_381 = arith.constant 1 : i32
    %dma_start3A_382 = arith.constant 1 : i32
    %dma_start3A_383 = arith.constant 0 : i32
    %dma_start3A_384 = arith.constant 0 : i32
    %dma_start3A_385 = tpu.memref_slice %arg9[%dma_start3A_381, %dma_start3A_383, %dma_start3A_384] : memref<3x128x128xf32, #tpu.memory_space<vmem>> -> memref<1x128x128xf32, #tpu.memory_space<vmem>>
    %dma_start3A_386 = tpu.memref_squeeze %dma_start3A_385 : memref<1x128x128xf32, #tpu.memory_space<vmem>> -> memref<128x128xf32, #tpu.memory_space<vmem>>
    %dma_start3A_387 = arith.constant 0 : i32
    %dma_start3A_388 = tpu.memref_slice %arg7[%dma_start3A_380, %dma_start3A_387] : memref<3x128xi32, #tpu.memory_space<vmem>> -> memref<1x128xi32, #tpu.memory_space<vmem>>
    %dma_start3A_389 = tpu.memref_squeeze %dma_start3A_388 : memref<1x128xi32, #tpu.memory_space<vmem>> -> memref<128xi32, #tpu.memory_space<vmem>>
    %dma_start3A_390 = arith.constant 0 : i32
    %dma_start3A_391 = arith.constant 0 : i32
    %dma_start3A_392 = tpu.memref_slice %arg3[%dma_start3A_390, %dma_start3A_391] : memref<500000x128xf32, #tpu.memory_space<hbm>> -> memref<500000x128xf32, #tpu.memory_space<hbm>>
    %dma_start3A_393 = tpu.memref_slice %arg13[%dma_start3A_382] : memref<3x!tpu.dma_semaphore, #tpu.memory_space<semaphore_mem>> -> memref<1x!tpu.dma_semaphore, #tpu.memory_space<semaphore_mem>>
    %dma_start3A_394 = tpu.memref_squeeze %dma_start3A_393 : memref<1x!tpu.dma_semaphore, #tpu.memory_space<semaphore_mem>> -> memref<!tpu.dma_semaphore, #tpu.memory_space<semaphore_mem>>
    tpu.enqueue_indirect_dma source(%dma_start3A_392 : memref<500000x128xf32, #tpu.memory_space<hbm>>) target(%dma_start3A_386 : memref<128x128xf32, #tpu.memory_space<vmem>>) offsets(%dma_start3A_389 : memref<128xi32, #tpu.memory_space<vmem>>) semaphore(%dma_start3A_394 : memref<!tpu.dma_semaphore, #tpu.memory_space<semaphore_mem>>)
    %scan3A = arith.constant 0 : i32
    %scan3A_395 = arith.constant 0 : i32
    %scan3A_396 = arith.constant 200 : i32
    %scan3A_397 = arith.addi %scan3A_395, %scan3A_396 : i32
    %scan3A_398 = arith.constant 1 : i32
    scf.for %scan3A_437 = %scan3A_395 to %scan3A_397 step %scan3A_398  : i32 {
      %rem3A = arith.constant 8 : i32
      %rem3A_438 = arith.remsi %scan3A_437, %rem3A : i32
      %div3A = arith.constant 8 : i32
      %div3A_439 = arith.divsi %scan3A_437, %div3A : i32
      %rem3A_440 = arith.constant 3 : i32
      %rem3A_441 = arith.remsi %scan3A_437, %rem3A_440 : i32
      %rem3A_442 = arith.constant 2 : i32
      %rem3A_443 = arith.remsi %scan3A_437, %rem3A_442 : i32
      %add3A_444 = arith.constant 2 : i32
      %add3A_445 = arith.addi %scan3A_437, %add3A_444 : i32
      %rem3A_446 = arith.constant 3 : i32
      %rem3A_447 = arith.remsi %add3A_445, %rem3A_446 : i32
      %div3A_448 = arith.constant 8 : i32
      %div3A_449 = arith.divsi %add3A_445, %div3A_448 : i32
      %rem3A_450 = arith.constant 2 : i32
      %rem3A_451 = arith.remsi %div3A_449, %rem3A_450 : i32
      %eq3A = arith.constant 0 : i32
      %eq3A_452 = arith.cmpi eq, %rem3A_438, %eq3A : i32
      %lt3A = arith.constant 192 : i32
      %lt3A_453 = arith.cmpi slt, %scan3A_437, %lt3A : i32
      %and3A_454 = arith.andi %eq3A_452, %lt3A_453 : i1
      %convert_element_type3A = arith.extui %and3A_454 : i1 to i32
      %cond3A = arith.constant 0 : i32
      %cond3A_455 = arith.cmpi ne, %convert_element_type3A, %cond3A : i32
      scf.if %cond3A_455 {
        %add3A_575 = arith.constant 1 : i32
        %add3A_576 = arith.addi %div3A_439, %add3A_575 : i32
        %mul3A_577 = arith.constant 8 : i32
        %mul3A_578 = arith.muli %add3A_576, %mul3A_577 : i32
        %rem3A_579 = arith.constant 2 : i32
        %rem3A_580 = arith.remsi %add3A_576, %rem3A_579 : i32
        %rem3A_581 = arith.constant 2 : i32
        %rem3A_582 = arith.remsi %add3A_576, %rem3A_581 : i32
        %dma_start3A_583 = arith.constant 0 : i32
        %dma_start3A_584 = arith.constant 0 : i32
        %dma_start3A_585 = tpu.memref_slice %arg6[%rem3A_580, %dma_start3A_583, %dma_start3A_584] : memref<2x8x128xi32, #tpu.memory_space<vmem>> -> memref<1x8x128xi32, #tpu.memory_space<vmem>>
        %dma_start3A_586 = tpu.memref_squeeze %dma_start3A_585 : memref<1x8x128xi32, #tpu.memory_space<vmem>> -> memref<8x128xi32, #tpu.memory_space<vmem>>
        %dma_start3A_587 = tpu.memref_slice %arg2[%mul3A_578, %mul3A_2] : memref<200x4096xi32, #tpu.memory_space<hbm>> -> memref<8x128xi32, #tpu.memory_space<hbm>>
        %dma_start3A_588 = tpu.memref_slice %arg12[%rem3A_582] : memref<2x!tpu.dma_semaphore, #tpu.memory_space<semaphore_mem>> -> memref<1x!tpu.dma_semaphore, #tpu.memory_space<semaphore_mem>>
        %dma_start3A_589 = tpu.memref_squeeze %dma_start3A_588 : memref<1x!tpu.dma_semaphore, #tpu.memory_space<semaphore_mem>> -> memref<!tpu.dma_semaphore, #tpu.memory_space<semaphore_mem>>
        %dma_start3A_590 = arith.constant 0 : i32
        %dma_start3A_591 = arith.constant 0 : i32
        %dma_start3A_592 = tpu.memref_slice %arg6[%rem3A_580, %dma_start3A_590, %dma_start3A_591] : memref<2x8x128xi32, #tpu.memory_space<vmem>> -> memref<1x8x128xi32, #tpu.memory_space<vmem>>
        %dma_start3A_593 = tpu.memref_squeeze %dma_start3A_592 : memref<1x8x128xi32, #tpu.memory_space<vmem>> -> memref<8x128xi32, #tpu.memory_space<vmem>>
        %dma_start3A_594 = tpu.memref_slice %arg2[%mul3A_578, %mul3A_2] : memref<200x4096xi32, #tpu.memory_space<hbm>> -> memref<8x128xi32, #tpu.memory_space<hbm>>
        tpu.enqueue_dma source(%dma_start3A_594 : memref<8x128xi32, #tpu.memory_space<hbm>>) target(%dma_start3A_593 : memref<8x128xi32, #tpu.memory_space<vmem>>) target_semaphore(%dma_start3A_589 : memref<!tpu.dma_semaphore, #tpu.memory_space<semaphore_mem>>)
      } else {
      }
      %lt3A_456 = arith.constant 200 : i32
      %lt3A_457 = arith.cmpi slt, %add3A_445, %lt3A_456 : i32
      %convert_element_type3A_458 = arith.extui %lt3A_457 : i1 to i32
      %cond3A_459 = arith.constant 0 : i32
      %cond3A_460 = arith.cmpi ne, %convert_element_type3A_458, %cond3A_459 : i32
      scf.if %cond3A_460 {
        %eq3A_575 = arith.constant 6 : i32
        %eq3A_576 = arith.cmpi eq, %rem3A_438, %eq3A_575 : i32
        %convert_element_type3A_577 = arith.extui %eq3A_576 : i1 to i32
        %cond3A_578 = arith.constant 0 : i32
        %cond3A_579 = arith.cmpi ne, %convert_element_type3A_577, %cond3A_578 : i32
        scf.if %cond3A_579 {
          %dma_wait3A_746 = arith.constant 0 : i32
          %dma_wait3A_747 = arith.constant 0 : i32
          %dma_wait3A_748 = tpu.memref_slice %arg6[%rem3A_451, %dma_wait3A_746, %dma_wait3A_747] : memref<2x8x128xi32, #tpu.memory_space<vmem>> -> memref<1x8x128xi32, #tpu.memory_space<vmem>>
          %dma_wait3A_749 = tpu.memref_squeeze %dma_wait3A_748 : memref<1x8x128xi32, #tpu.memory_space<vmem>> -> memref<8x128xi32, #tpu.memory_space<vmem>>
          %dma_wait3A_750 = arith.constant 0 : i32
          %dma_wait3A_751 = tpu.memref_slice %arg2[%dma_wait3A_750, %mul3A_2] : memref<200x4096xi32, #tpu.memory_space<hbm>> -> memref<8x128xi32, #tpu.memory_space<hbm>>
          %dma_wait3A_752 = tpu.memref_slice %arg12[%rem3A_451] : memref<2x!tpu.dma_semaphore, #tpu.memory_space<semaphore_mem>> -> memref<1x!tpu.dma_semaphore, #tpu.memory_space<semaphore_mem>>
          %dma_wait3A_753 = tpu.memref_squeeze %dma_wait3A_752 : memref<1x!tpu.dma_semaphore, #tpu.memory_space<semaphore_mem>> -> memref<!tpu.dma_semaphore, #tpu.memory_space<semaphore_mem>>
          %dma_wait3A_754 = arith.constant 0 : i32
          %dma_wait3A_755 = arith.constant 0 : i32
          %dma_wait3A_756 = tpu.memref_slice %arg6[%rem3A_451, %dma_wait3A_754, %dma_wait3A_755] : memref<2x8x128xi32, #tpu.memory_space<vmem>> -> memref<1x8x128xi32, #tpu.memory_space<vmem>>
          %dma_wait3A_757 = tpu.memref_squeeze %dma_wait3A_756 : memref<1x8x128xi32, #tpu.memory_space<vmem>> -> memref<8x128xi32, #tpu.memory_space<vmem>>
          %dma_wait3A_758 = arith.constant 0 : i32
          %dma_wait3A_759 = tpu.memref_slice %arg2[%dma_wait3A_758, %mul3A_2] : memref<200x4096xi32, #tpu.memory_space<hbm>> -> memref<8x128xi32, #tpu.memory_space<hbm>>
          tpu.wait_dma2 semaphore(%dma_wait3A_753 : memref<!tpu.dma_semaphore, #tpu.memory_space<semaphore_mem>>) src(%dma_wait3A_759 : memref<8x128xi32, #tpu.memory_space<hbm>>) dst(%dma_wait3A_757 : memref<8x128xi32, #tpu.memory_space<vmem>>)
        } else {
        }
        %rem3A_580 = arith.constant 8 : i32
        %rem3A_581 = arith.remsi %add3A_445, %rem3A_580 : i32
        %get3A_582 = arith.index_cast %rem3A_451 : i32 to index
        %get3A_583 = arith.index_cast %rem3A_581 : i32 to index
        %get3A_584 = arith.constant 0 : index
        %get3A_585 = tpu.vector_load %arg6[%get3A_582, %get3A_583, %get3A_584] {strides = array<i32>} : memref<2x8x128xi32, #tpu.memory_space<vmem>>, vector<16xi32>,
        %shift_right_logical3A_586 = arith.constant 1 : i32
        %shift_right_logical3A_587 = vector.broadcast %shift_right_logical3A_586 : i32 to vector<16xi32>
        %shift_right_logical3A_588 = arith.shrui %get3A_585, %shift_right_logical3A_587 : vector<16xi32>
        %swap3A_589 = arith.index_cast %rem3A_447 : i32 to index
        %swap3A_590 = arith.constant 0 : index
        %swap3A_591 = tpu.vector_load %arg7[%swap3A_589, %swap3A_590] {strides = array<i32>} : memref<3x128xi32, #tpu.memory_space<vmem>>, vector<16xi32>,
        tpu.vector_store %arg7[%swap3A_589, %swap3A_590], %shift_right_logical3A_588 {strides = array<i32>} : memref<3x128xi32, #tpu.memory_space<vmem>>, vector<16xi32>,
        %and3A_592 = arith.constant 1 : i32
        %and3A_593 = vector.broadcast %and3A_592 : i32 to vector<16xi32>
        %and3A_594 = arith.andi %get3A_585, %and3A_593 : vector<16xi32>
        %shift_left3A_595 = arith.constant 6 : i32
        %shift_left3A_596 = vector.broadcast %shift_left3A_595 : i32 to vector<16xi32>
        %shift_left3A_597 = arith.shli %and3A_594, %shift_left3A_596 : vector<16xi32>
        %swap3A_598 = arith.index_cast %rem3A_447 : i32 to index
        %swap3A_599 = arith.constant 0 : index
        %swap3A_600 = tpu.vector_load %arg8[%swap3A_598, %swap3A_599] {strides = array<i32>} : memref<3x128xi32, #tpu.memory_space<vmem>>, vector<16xi32>,
        tpu.vector_store %arg8[%swap3A_598, %swap3A_599], %shift_left3A_597 {strides = array<i32>} : memref<3x128xi32, #tpu.memory_space<vmem>>, vector<16xi32>,
        %get3A_601 = arith.index_cast %rem3A_451 : i32 to index
        %get3A_602 = arith.index_cast %rem3A_581 : i32 to index
        %get3A_603 = arith.constant 16 : index
        %get3A_604 = tpu.vector_load %arg6[%get3A_601, %get3A_602, %get3A_603] {strides = array<i32>} : memref<2x8x128xi32, #tpu.memory_space<vmem>>, vector<16xi32>,
        %shift_right_logical3A_605 = arith.constant 1 : i32
        %shift_right_logical3A_606 = vector.broadcast %shift_right_logical3A_605 : i32 to vector<16xi32>
        %shift_right_logical3A_607 = arith.shrui %get3A_604, %shift_right_logical3A_606 : vector<16xi32>
        %swap3A_608 = arith.index_cast %rem3A_447 : i32 to index
        %swap3A_609 = arith.constant 16 : index
        %swap3A_610 = tpu.vector_load %arg7[%swap3A_608, %swap3A_609] {strides = array<i32>} : memref<3x128xi32, #tpu.memory_space<vmem>>, vector<16xi32>,
        tpu.vector_store %arg7[%swap3A_608, %swap3A_609], %shift_right_logical3A_607 {strides = array<i32>} : memref<3x128xi32, #tpu.memory_space<vmem>>, vector<16xi32>,
        %and3A_611 = arith.constant 1 : i32
        %and3A_612 = vector.broadcast %and3A_611 : i32 to vector<16xi32>
        %and3A_613 = arith.andi %get3A_604, %and3A_612 : vector<16xi32>
        %shift_left3A_614 = arith.constant 6 : i32
        %shift_left3A_615 = vector.broadcast %shift_left3A_614 : i32 to vector<16xi32>
        %shift_left3A_616 = arith.shli %and3A_613, %shift_left3A_615 : vector<16xi32>
        %swap3A_617 = arith.index_cast %rem3A_447 : i32 to index
        %swap3A_618 = arith.constant 16 : index
        %swap3A_619 = tpu.vector_load %arg8[%swap3A_617, %swap3A_618] {strides = array<i32>} : memref<3x128xi32, #tpu.memory_space<vmem>>, vector<16xi32>,
        tpu.vector_store %arg8[%swap3A_617, %swap3A_618], %shift_left3A_616 {strides = array<i32>} : memref<3x128xi32, #tpu.memory_space<vmem>>, vector<16xi32>,
        %get3A_620 = arith.index_cast %rem3A_451 : i32 to index
        %get3A_621 = arith.index_cast %rem3A_581 : i32 to index
        %get3A_622 = arith.constant 32 : index
        %get3A_623 = tpu.vector_load %arg6[%get3A_620, %get3A_621, %get3A_622] {strides = array<i32>} : memref<2x8x128xi32, #tpu.memory_space<vmem>>, vector<16xi32>,
        %shift_right_logical3A_624 = arith.constant 1 : i32
        %shift_right_logical3A_625 = vector.broadcast %shift_right_logical3A_624 : i32 to vector<16xi32>
        %shift_right_logical3A_626 = arith.shrui %get3A_623, %shift_right_logical3A_625 : vector<16xi32>
        %swap3A_627 = arith.index_cast %rem3A_447 : i32 to index
        %swap3A_628 = arith.constant 32 : index
        %swap3A_629 = tpu.vector_load %arg7[%swap3A_627, %swap3A_628] {strides = array<i32>} : memref<3x128xi32, #tpu.memory_space<vmem>>, vector<16xi32>,
        tpu.vector_store %arg7[%swap3A_627, %swap3A_628], %shift_right_logical3A_626 {strides = array<i32>} : memref<3x128xi32, #tpu.memory_space<vmem>>, vector<16xi32>,
        %and3A_630 = arith.constant 1 : i32
        %and3A_631 = vector.broadcast %and3A_630 : i32 to vector<16xi32>
        %and3A_632 = arith.andi %get3A_623, %and3A_631 : vector<16xi32>
        %shift_left3A_633 = arith.constant 6 : i32
        %shift_left3A_634 = vector.broadcast %shift_left3A_633 : i32 to vector<16xi32>
        %shift_left3A_635 = arith.shli %and3A_632, %shift_left3A_634 : vector<16xi32>
        %swap3A_636 = arith.index_cast %rem3A_447 : i32 to index
        %swap3A_637 = arith.constant 32 : index
        %swap3A_638 = tpu.vector_load %arg8[%swap3A_636, %swap3A_637] {strides = array<i32>} : memref<3x128xi32, #tpu.memory_space<vmem>>, vector<16xi32>,
        tpu.vector_store %arg8[%swap3A_636, %swap3A_637], %shift_left3A_635 {strides = array<i32>} : memref<3x128xi32, #tpu.memory_space<vmem>>, vector<16xi32>,
        %get3A_639 = arith.index_cast %rem3A_451 : i32 to index
        %get3A_640 = arith.index_cast %rem3A_581 : i32 to index
        %get3A_641 = arith.constant 48 : index
        %get3A_642 = tpu.vector_load %arg6[%get3A_639, %get3A_640, %get3A_641] {strides = array<i32>} : memref<2x8x128xi32, #tpu.memory_space<vmem>>, vector<16xi32>,
        %shift_right_logical3A_643 = arith.constant 1 : i32
        %shift_right_logical3A_644 = vector.broadcast %shift_right_logical3A_643 : i32 to vector<16xi32>
        %shift_right_logical3A_645 = arith.shrui %get3A_642, %shift_right_logical3A_644 : vector<16xi32>
        %swap3A_646 = arith.index_cast %rem3A_447 : i32 to index
        %swap3A_647 = arith.constant 48 : index
        %swap3A_648 = tpu.vector_load %arg7[%swap3A_646, %swap3A_647] {strides = array<i32>} : memref<3x128xi32, #tpu.memory_space<vmem>>, vector<16xi32>,
        tpu.vector_store %arg7[%swap3A_646, %swap3A_647], %shift_right_logical3A_645 {strides = array<i32>} : memref<3x128xi32, #tpu.memory_space<vmem>>, vector<16xi32>,
        %and3A_649 = arith.constant 1 : i32
        %and3A_650 = vector.broadcast %and3A_649 : i32 to vector<16xi32>
        %and3A_651 = arith.andi %get3A_642, %and3A_650 : vector<16xi32>
        %shift_left3A_652 = arith.constant 6 : i32
        %shift_left3A_653 = vector.broadcast %shift_left3A_652 : i32 to vector<16xi32>
        %shift_left3A_654 = arith.shli %and3A_651, %shift_left3A_653 : vector<16xi32>
        %swap3A_655 = arith.index_cast %rem3A_447 : i32 to index
        %swap3A_656 = arith.constant 48 : index
        %swap3A_657 = tpu.vector_load %arg8[%swap3A_655, %swap3A_656] {strides = array<i32>} : memref<3x128xi32, #tpu.memory_space<vmem>>, vector<16xi32>,
        tpu.vector_store %arg8[%swap3A_655, %swap3A_656], %shift_left3A_654 {strides = array<i32>} : memref<3x128xi32, #tpu.memory_space<vmem>>, vector<16xi32>,
        %get3A_658 = arith.index_cast %rem3A_451 : i32 to index
        %get3A_659 = arith.index_cast %rem3A_581 : i32 to index
        %get3A_660 = arith.constant 64 : index
        %get3A_661 = tpu.vector_load %arg6[%get3A_658, %get3A_659, %get3A_660] {strides = array<i32>} : memref<2x8x128xi32, #tpu.memory_space<vmem>>, vector<16xi32>,
        %shift_right_logical3A_662 = arith.constant 1 : i32
        %shift_right_logical3A_663 = vector.broadcast %shift_right_logical3A_662 : i32 to vector<16xi32>
        %shift_right_logical3A_664 = arith.shrui %get3A_661, %shift_right_logical3A_663 : vector<16xi32>
        %swap3A_665 = arith.index_cast %rem3A_447 : i32 to index
        %swap3A_666 = arith.constant 64 : index
        %swap3A_667 = tpu.vector_load %arg7[%swap3A_665, %swap3A_666] {strides = array<i32>} : memref<3x128xi32, #tpu.memory_space<vmem>>, vector<16xi32>,
        tpu.vector_store %arg7[%swap3A_665, %swap3A_666], %shift_right_logical3A_664 {strides = array<i32>} : memref<3x128xi32, #tpu.memory_space<vmem>>, vector<16xi32>,
        %and3A_668 = arith.constant 1 : i32
        %and3A_669 = vector.broadcast %and3A_668 : i32 to vector<16xi32>
        %and3A_670 = arith.andi %get3A_661, %and3A_669 : vector<16xi32>
        %shift_left3A_671 = arith.constant 6 : i32
        %shift_left3A_672 = vector.broadcast %shift_left3A_671 : i32 to vector<16xi32>
        %shift_left3A_673 = arith.shli %and3A_670, %shift_left3A_672 : vector<16xi32>
        %swap3A_674 = arith.index_cast %rem3A_447 : i32 to index
        %swap3A_675 = arith.constant 64 : index
        %swap3A_676 = tpu.vector_load %arg8[%swap3A_674, %swap3A_675] {strides = array<i32>} : memref<3x128xi32, #tpu.memory_space<vmem>>, vector<16xi32>,
        tpu.vector_store %arg8[%swap3A_674, %swap3A_675], %shift_left3A_673 {strides = array<i32>} : memref<3x128xi32, #tpu.memory_space<vmem>>, vector<16xi32>,
        %get3A_677 = arith.index_cast %rem3A_451 : i32 to index
        %get3A_678 = arith.index_cast %rem3A_581 : i32 to index
        %get3A_679 = arith.constant 80 : index
        %get3A_680 = tpu.vector_load %arg6[%get3A_677, %get3A_678, %get3A_679] {strides = array<i32>} : memref<2x8x128xi32, #tpu.memory_space<vmem>>, vector<16xi32>,
        %shift_right_logical3A_681 = arith.constant 1 : i32
        %shift_right_logical3A_682 = vector.broadcast %shift_right_logical3A_681 : i32 to vector<16xi32>
        %shift_right_logical3A_683 = arith.shrui %get3A_680, %shift_right_logical3A_682 : vector<16xi32>
        %swap3A_684 = arith.index_cast %rem3A_447 : i32 to index
        %swap3A_685 = arith.constant 80 : index
        %swap3A_686 = tpu.vector_load %arg7[%swap3A_684, %swap3A_685] {strides = array<i32>} : memref<3x128xi32, #tpu.memory_space<vmem>>, vector<16xi32>,
        tpu.vector_store %arg7[%swap3A_684, %swap3A_685], %shift_right_logical3A_683 {strides = array<i32>} : memref<3x128xi32, #tpu.memory_space<vmem>>, vector<16xi32>,
        %and3A_687 = arith.constant 1 : i32
        %and3A_688 = vector.broadcast %and3A_687 : i32 to vector<16xi32>
        %and3A_689 = arith.andi %get3A_680, %and3A_688 : vector<16xi32>
        %shift_left3A_690 = arith.constant 6 : i32
        %shift_left3A_691 = vector.broadcast %shift_left3A_690 : i32 to vector<16xi32>
        %shift_left3A_692 = arith.shli %and3A_689, %shift_left3A_691 : vector<16xi32>
        %swap3A_693 = arith.index_cast %rem3A_447 : i32 to index
        %swap3A_694 = arith.constant 80 : index
        %swap3A_695 = tpu.vector_load %arg8[%swap3A_693, %swap3A_694] {strides = array<i32>} : memref<3x128xi32, #tpu.memory_space<vmem>>, vector<16xi32>,
        tpu.vector_store %arg8[%swap3A_693, %swap3A_694], %shift_left3A_692 {strides = array<i32>} : memref<3x128xi32, #tpu.memory_space<vmem>>, vector<16xi32>,
        %get3A_696 = arith.index_cast %rem3A_451 : i32 to index
        %get3A_697 = arith.index_cast %rem3A_581 : i32 to index
        %get3A_698 = arith.constant 96 : index
        %get3A_699 = tpu.vector_load %arg6[%get3A_696, %get3A_697, %get3A_698] {strides = array<i32>} : memref<2x8x128xi32, #tpu.memory_space<vmem>>, vector<16xi32>,
        %shift_right_logical3A_700 = arith.constant 1 : i32
        %shift_right_logical3A_701 = vector.broadcast %shift_right_logical3A_700 : i32 to vector<16xi32>
        %shift_right_logical3A_702 = arith.shrui %get3A_699, %shift_right_logical3A_701 : vector<16xi32>
        %swap3A_703 = arith.index_cast %rem3A_447 : i32 to index
        %swap3A_704 = arith.constant 96 : index
        %swap3A_705 = tpu.vector_load %arg7[%swap3A_703, %swap3A_704] {strides = array<i32>} : memref<3x128xi32, #tpu.memory_space<vmem>>, vector<16xi32>,
        tpu.vector_store %arg7[%swap3A_703, %swap3A_704], %shift_right_logical3A_702 {strides = array<i32>} : memref<3x128xi32, #tpu.memory_space<vmem>>, vector<16xi32>,
        %and3A_706 = arith.constant 1 : i32
        %and3A_707 = vector.broadcast %and3A_706 : i32 to vector<16xi32>
        %and3A_708 = arith.andi %get3A_699, %and3A_707 : vector<16xi32>
        %shift_left3A_709 = arith.constant 6 : i32
        %shift_left3A_710 = vector.broadcast %shift_left3A_709 : i32 to vector<16xi32>
        %shift_left3A_711 = arith.shli %and3A_708, %shift_left3A_710 : vector<16xi32>
        %swap3A_712 = arith.index_cast %rem3A_447 : i32 to index
        %swap3A_713 = arith.constant 96 : index
        %swap3A_714 = tpu.vector_load %arg8[%swap3A_712, %swap3A_713] {strides = array<i32>} : memref<3x128xi32, #tpu.memory_space<vmem>>, vector<16xi32>,
        tpu.vector_store %arg8[%swap3A_712, %swap3A_713], %shift_left3A_711 {strides = array<i32>} : memref<3x128xi32, #tpu.memory_space<vmem>>, vector<16xi32>,
        %get3A_715 = arith.index_cast %rem3A_451 : i32 to index
        %get3A_716 = arith.index_cast %rem3A_581 : i32 to index
        %get3A_717 = arith.constant 112 : index
        %get3A_718 = tpu.vector_load %arg6[%get3A_715, %get3A_716, %get3A_717] {strides = array<i32>} : memref<2x8x128xi32, #tpu.memory_space<vmem>>, vector<16xi32>,
        %shift_right_logical3A_719 = arith.constant 1 : i32
        %shift_right_logical3A_720 = vector.broadcast %shift_right_logical3A_719 : i32 to vector<16xi32>
        %shift_right_logical3A_721 = arith.shrui %get3A_718, %shift_right_logical3A_720 : vector<16xi32>
        %swap3A_722 = arith.index_cast %rem3A_447 : i32 to index
        %swap3A_723 = arith.constant 112 : index
        %swap3A_724 = tpu.vector_load %arg7[%swap3A_722, %swap3A_723] {strides = array<i32>} : memref<3x128xi32, #tpu.memory_space<vmem>>, vector<16xi32>,
        tpu.vector_store %arg7[%swap3A_722, %swap3A_723], %shift_right_logical3A_721 {strides = array<i32>} : memref<3x128xi32, #tpu.memory_space<vmem>>, vector<16xi32>,
        %and3A_725 = arith.constant 1 : i32
        %and3A_726 = vector.broadcast %and3A_725 : i32 to vector<16xi32>
        %and3A_727 = arith.andi %get3A_718, %and3A_726 : vector<16xi32>
        %shift_left3A_728 = arith.constant 6 : i32
        %shift_left3A_729 = vector.broadcast %shift_left3A_728 : i32 to vector<16xi32>
        %shift_left3A_730 = arith.shli %and3A_727, %shift_left3A_729 : vector<16xi32>
        %swap3A_731 = arith.index_cast %rem3A_447 : i32 to index
        %swap3A_732 = arith.constant 112 : index
        %swap3A_733 = tpu.vector_load %arg8[%swap3A_731, %swap3A_732] {strides = array<i32>} : memref<3x128xi32, #tpu.memory_space<vmem>>, vector<16xi32>,
        tpu.vector_store %arg8[%swap3A_731, %swap3A_732], %shift_left3A_730 {strides = array<i32>} : memref<3x128xi32, #tpu.memory_space<vmem>>, vector<16xi32>,
        %dma_start3A_734 = arith.constant 0 : i32
        %dma_start3A_735 = arith.constant 0 : i32
        %dma_start3A_736 = tpu.memref_slice %arg9[%rem3A_447, %dma_start3A_734, %dma_start3A_735] : memref<3x128x128xf32, #tpu.memory_space<vmem>> -> memref<1x128x128xf32, #tpu.memory_space<vmem>>
        %dma_start3A_737 = tpu.memref_squeeze %dma_start3A_736 : memref<1x128x128xf32, #tpu.memory_space<vmem>> -> memref<128x128xf32, #tpu.memory_space<vmem>>
        %dma_start3A_738 = arith.constant 0 : i32
        %dma_start3A_739 = tpu.memref_slice %arg7[%rem3A_447, %dma_start3A_738] : memref<3x128xi32, #tpu.memory_space<vmem>> -> memref<1x128xi32, #tpu.memory_space<vmem>>
        %dma_start3A_740 = tpu.memref_squeeze %dma_start3A_739 : memref<1x128xi32, #tpu.memory_space<vmem>> -> memref<128xi32, #tpu.memory_space<vmem>>
        %dma_start3A_741 = arith.constant 0 : i32
        %dma_start3A_742 = arith.constant 0 : i32
        %dma_start3A_743 = tpu.memref_slice %arg3[%dma_start3A_741, %dma_start3A_742] : memref<500000x128xf32, #tpu.memory_space<hbm>> -> memref<500000x128xf32, #tpu.memory_space<hbm>>
        %dma_start3A_744 = tpu.memref_slice %arg13[%rem3A_447] : memref<3x!tpu.dma_semaphore, #tpu.memory_space<semaphore_mem>> -> memref<1x!tpu.dma_semaphore, #tpu.memory_space<semaphore_mem>>
        %dma_start3A_745 = tpu.memref_squeeze %dma_start3A_744 : memref<1x!tpu.dma_semaphore, #tpu.memory_space<semaphore_mem>> -> memref<!tpu.dma_semaphore, #tpu.memory_space<semaphore_mem>>
        tpu.enqueue_indirect_dma source(%dma_start3A_743 : memref<500000x128xf32, #tpu.memory_space<hbm>>) target(%dma_start3A_737 : memref<128x128xf32, #tpu.memory_space<vmem>>) offsets(%dma_start3A_740 : memref<128xi32, #tpu.memory_space<vmem>>) semaphore(%dma_start3A_745 : memref<!tpu.dma_semaphore, #tpu.memory_space<semaphore_mem>>)
      } else {
      }
      %dma_wait3A_461 = arith.constant 0 : i32
      %dma_wait3A_462 = arith.constant 0 : i32
      %dma_wait3A_463 = tpu.memref_slice %arg9[%rem3A_441, %dma_wait3A_461, %dma_wait3A_462] : memref<3x128x128xf32, #tpu.memory_space<vmem>> -> memref<1x128x128xf32, #tpu.memory_space<vmem>>
      %dma_wait3A_464 = tpu.memref_squeeze %dma_wait3A_463 : memref<1x128x128xf32, #tpu.memory_space<vmem>> -> memref<128x128xf32, #tpu.memory_space<vmem>>
      %dma_wait3A_465 = arith.constant 0 : i32
      %dma_wait3A_466 = tpu.memref_slice %arg7[%rem3A_441, %dma_wait3A_465] : memref<3x128xi32, #tpu.memory_space<vmem>> -> memref<1x128xi32, #tpu.memory_space<vmem>>
      %dma_wait3A_467 = tpu.memref_squeeze %dma_wait3A_466 : memref<1x128xi32, #tpu.memory_space<vmem>> -> memref<128xi32, #tpu.memory_space<vmem>>
      %dma_wait3A_468 = arith.constant 0 : i32
      %dma_wait3A_469 = arith.constant 0 : i32
      %dma_wait3A_470 = tpu.memref_slice %arg3[%dma_wait3A_468, %dma_wait3A_469] : memref<500000x128xf32, #tpu.memory_space<hbm>> -> memref<500000x128xf32, #tpu.memory_space<hbm>>
      %dma_wait3A_471 = tpu.memref_slice %arg13[%rem3A_441] : memref<3x!tpu.dma_semaphore, #tpu.memory_space<semaphore_mem>> -> memref<1x!tpu.dma_semaphore, #tpu.memory_space<semaphore_mem>>
      %dma_wait3A_472 = tpu.memref_squeeze %dma_wait3A_471 : memref<1x!tpu.dma_semaphore, #tpu.memory_space<semaphore_mem>> -> memref<!tpu.dma_semaphore, #tpu.memory_space<semaphore_mem>>
      tpu.wait_indirect_dma semaphore(%dma_wait3A_472 : memref<!tpu.dma_semaphore, #tpu.memory_space<semaphore_mem>>) src(%dma_wait3A_470 : memref<500000x128xf32, #tpu.memory_space<hbm>>) dst(%dma_wait3A_464 : memref<128x128xf32, #tpu.memory_space<vmem>>)
      %ge3A = arith.constant 2 : i32
      %ge3A_473 = arith.cmpi sge, %scan3A_437, %ge3A : i32
      %convert_element_type3A_474 = arith.extui %ge3A_473 : i1 to i32
      %cond3A_475 = arith.constant 0 : i32
      %cond3A_476 = arith.cmpi ne, %convert_element_type3A_474, %cond3A_475 : i32
      scf.if %cond3A_476 {
        %dma_wait3A_575 = arith.constant 0 : i32
        %dma_wait3A_576 = arith.constant 0 : i32
        %dma_wait3A_577 = arith.constant 0 : i32
        %dma_wait3A_578 = tpu.memref_slice %arg10[%rem3A_443, %dma_wait3A_576, %dma_wait3A_577] : memref<2x64x128xf32, #tpu.memory_space<vmem>> -> memref<1x64x128xf32, #tpu.memory_space<vmem>>
        %dma_wait3A_579 = tpu.memref_squeeze %dma_wait3A_578 : memref<1x64x128xf32, #tpu.memory_space<vmem>> -> memref<64x128xf32, #tpu.memory_space<vmem>>
        %dma_wait3A_580 = arith.constant 0 : i32
        %dma_wait3A_581 = tpu.memref_slice %arg5[%dma_wait3A_575, %dma_wait3A_580, %mul3A_2] : memref<200x64x4096xf32, #tpu.memory_space<hbm>> -> memref<1x64x128xf32, #tpu.memory_space<hbm>>
        %dma_wait3A_582 = tpu.memref_squeeze %dma_wait3A_581 : memref<1x64x128xf32, #tpu.memory_space<hbm>> -> memref<64x128xf32, #tpu.memory_space<hbm>>
        %dma_wait3A_583 = tpu.memref_slice %arg14[%rem3A_443] : memref<2x!tpu.dma_semaphore, #tpu.memory_space<semaphore_mem>> -> memref<1x!tpu.dma_semaphore, #tpu.memory_space<semaphore_mem>>
        %dma_wait3A_584 = tpu.memref_squeeze %dma_wait3A_583 : memref<1x!tpu.dma_semaphore, #tpu.memory_space<semaphore_mem>> -> memref<!tpu.dma_semaphore, #tpu.memory_space<semaphore_mem>>
        %dma_wait3A_585 = arith.constant 0 : i32
        %dma_wait3A_586 = tpu.memref_slice %arg5[%dma_wait3A_575, %dma_wait3A_585, %mul3A_2] : memref<200x64x4096xf32, #tpu.memory_space<hbm>> -> memref<1x64x128xf32, #tpu.memory_space<hbm>>
        %dma_wait3A_587 = tpu.memref_squeeze %dma_wait3A_586 : memref<1x64x128xf32, #tpu.memory_space<hbm>> -> memref<64x128xf32, #tpu.memory_space<hbm>>
        %dma_wait3A_588 = arith.constant 0 : i32
        %dma_wait3A_589 = arith.constant 0 : i32
        %dma_wait3A_590 = tpu.memref_slice %arg10[%rem3A_443, %dma_wait3A_588, %dma_wait3A_589] : memref<2x64x128xf32, #tpu.memory_space<vmem>> -> memref<1x64x128xf32, #tpu.memory_space<vmem>>
        %dma_wait3A_591 = tpu.memref_squeeze %dma_wait3A_590 : memref<1x64x128xf32, #tpu.memory_space<vmem>> -> memref<64x128xf32, #tpu.memory_space<vmem>>
        tpu.wait_dma2 semaphore(%dma_wait3A_584 : memref<!tpu.dma_semaphore, #tpu.memory_space<semaphore_mem>>) src(%dma_wait3A_591 : memref<64x128xf32, #tpu.memory_space<vmem>>) dst(%dma_wait3A_587 : memref<64x128xf32, #tpu.memory_space<hbm>>)
      } else {
      }
      %get3A_477 = arith.index_cast %rem3A_441 : i32 to index
      %get3A_478 = arith.constant 0 : index
      %get3A_479 = tpu.vector_load %arg8[%get3A_477, %get3A_478] {strides = array<i32>} : memref<3x128xi32, #tpu.memory_space<vmem>>, vector<16xi32>,
      %add3A_480 = arith.constant 0 : i32
      %add3A_481 = vector.broadcast %add3A_480 : i32 to vector<16xi32>
      %add3A_482 = arith.addi %add3A_481, %iota3A : vector<16xi32>
      %shift_left3A_483 = arith.constant 7 : i32
      %shift_left3A_484 = vector.broadcast %shift_left3A_483 : i32 to vector<16xi32>
      %shift_left3A_485 = arith.shli %add3A_482, %shift_left3A_484 : vector<16xi32>
      %add3A_486 = arith.addi %get3A_479, %shift_left3A_485 : vector<16xi32>
      %get3A_487 = arith.index_cast %rem3A_441 : i32 to index
      %get3A_488 = arith.constant 16 : index
      %get3A_489 = tpu.vector_load %arg8[%get3A_487, %get3A_488] {strides = array<i32>} : memref<3x128xi32, #tpu.memory_space<vmem>>, vector<16xi32>,
      %add3A_490 = arith.constant 16 : i32
      %add3A_491 = vector.broadcast %add3A_490 : i32 to vector<16xi32>
      %add3A_492 = arith.addi %add3A_491, %iota3A : vector<16xi32>
      %shift_left3A_493 = arith.constant 7 : i32
      %shift_left3A_494 = vector.broadcast %shift_left3A_493 : i32 to vector<16xi32>
      %shift_left3A_495 = arith.shli %add3A_492, %shift_left3A_494 : vector<16xi32>
      %add3A_496 = arith.addi %get3A_489, %shift_left3A_495 : vector<16xi32>
      %get3A_497 = arith.index_cast %rem3A_441 : i32 to index
      %get3A_498 = arith.constant 32 : index
      %get3A_499 = tpu.vector_load %arg8[%get3A_497, %get3A_498] {strides = array<i32>} : memref<3x128xi32, #tpu.memory_space<vmem>>, vector<16xi32>,
      %add3A_500 = arith.constant 32 : i32
      %add3A_501 = vector.broadcast %add3A_500 : i32 to vector<16xi32>
      %add3A_502 = arith.addi %add3A_501, %iota3A : vector<16xi32>
      %shift_left3A_503 = arith.constant 7 : i32
      %shift_left3A_504 = vector.broadcast %shift_left3A_503 : i32 to vector<16xi32>
      %shift_left3A_505 = arith.shli %add3A_502, %shift_left3A_504 : vector<16xi32>
      %add3A_506 = arith.addi %get3A_499, %shift_left3A_505 : vector<16xi32>
      %get3A_507 = arith.index_cast %rem3A_441 : i32 to index
      %get3A_508 = arith.constant 48 : index
      %get3A_509 = tpu.vector_load %arg8[%get3A_507, %get3A_508] {strides = array<i32>} : memref<3x128xi32, #tpu.memory_space<vmem>>, vector<16xi32>,
      %add3A_510 = arith.constant 48 : i32
      %add3A_511 = vector.broadcast %add3A_510 : i32 to vector<16xi32>
      %add3A_512 = arith.addi %add3A_511, %iota3A : vector<16xi32>
      %shift_left3A_513 = arith.constant 7 : i32
      %shift_left3A_514 = vector.broadcast %shift_left3A_513 : i32 to vector<16xi32>
      %shift_left3A_515 = arith.shli %add3A_512, %shift_left3A_514 : vector<16xi32>
      %add3A_516 = arith.addi %get3A_509, %shift_left3A_515 : vector<16xi32>
      %get3A_517 = arith.index_cast %rem3A_441 : i32 to index
      %get3A_518 = arith.constant 64 : index
      %get3A_519 = tpu.vector_load %arg8[%get3A_517, %get3A_518] {strides = array<i32>} : memref<3x128xi32, #tpu.memory_space<vmem>>, vector<16xi32>,
      %add3A_520 = arith.constant 64 : i32
      %add3A_521 = vector.broadcast %add3A_520 : i32 to vector<16xi32>
      %add3A_522 = arith.addi %add3A_521, %iota3A : vector<16xi32>
      %shift_left3A_523 = arith.constant 7 : i32
      %shift_left3A_524 = vector.broadcast %shift_left3A_523 : i32 to vector<16xi32>
      %shift_left3A_525 = arith.shli %add3A_522, %shift_left3A_524 : vector<16xi32>
      %add3A_526 = arith.addi %get3A_519, %shift_left3A_525 : vector<16xi32>
      %get3A_527 = arith.index_cast %rem3A_441 : i32 to index
      %get3A_528 = arith.constant 80 : index
      %get3A_529 = tpu.vector_load %arg8[%get3A_527, %get3A_528] {strides = array<i32>} : memref<3x128xi32, #tpu.memory_space<vmem>>, vector<16xi32>,
      %add3A_530 = arith.constant 80 : i32
      %add3A_531 = vector.broadcast %add3A_530 : i32 to vector<16xi32>
      %add3A_532 = arith.addi %add3A_531, %iota3A : vector<16xi32>
      %shift_left3A_533 = arith.constant 7 : i32
      %shift_left3A_534 = vector.broadcast %shift_left3A_533 : i32 to vector<16xi32>
      %shift_left3A_535 = arith.shli %add3A_532, %shift_left3A_534 : vector<16xi32>
      %add3A_536 = arith.addi %get3A_529, %shift_left3A_535 : vector<16xi32>
      %get3A_537 = arith.index_cast %rem3A_441 : i32 to index
      %get3A_538 = arith.constant 96 : index
      %get3A_539 = tpu.vector_load %arg8[%get3A_537, %get3A_538] {strides = array<i32>} : memref<3x128xi32, #tpu.memory_space<vmem>>, vector<16xi32>,
      %add3A_540 = arith.constant 96 : i32
      %add3A_541 = vector.broadcast %add3A_540 : i32 to vector<16xi32>
      %add3A_542 = arith.addi %add3A_541, %iota3A : vector<16xi32>
      %shift_left3A_543 = arith.constant 7 : i32
      %shift_left3A_544 = vector.broadcast %shift_left3A_543 : i32 to vector<16xi32>
      %shift_left3A_545 = arith.shli %add3A_542, %shift_left3A_544 : vector<16xi32>
      %add3A_546 = arith.addi %get3A_539, %shift_left3A_545 : vector<16xi32>
      %get3A_547 = arith.index_cast %rem3A_441 : i32 to index
      %get3A_548 = arith.constant 112 : index
      %get3A_549 = tpu.vector_load %arg8[%get3A_547, %get3A_548] {strides = array<i32>} : memref<3x128xi32, #tpu.memory_space<vmem>>, vector<16xi32>,
      %add3A_550 = arith.constant 112 : i32
      %add3A_551 = vector.broadcast %add3A_550 : i32 to vector<16xi32>
      %add3A_552 = arith.addi %add3A_551, %iota3A : vector<16xi32>
      %shift_left3A_553 = arith.constant 7 : i32
      %shift_left3A_554 = vector.broadcast %shift_left3A_553 : i32 to vector<16xi32>
      %shift_left3A_555 = arith.shli %add3A_552, %shift_left3A_554 : vector<16xi32>
      %add3A_556 = arith.addi %get3A_549, %shift_left3A_555 : vector<16xi32>
      %broadcast_in_dim3A = vector.broadcast %scan3A_437 : i32 to vector<16xi32>
      %parallel_loop3A = arith.constant 0 : i32
      %parallel_loop3A_557 = arith.constant 64 : i32
      %parallel_loop3A_558 = arith.constant 1 : i32
      scf.for %parallel_loop3A_575 = %parallel_loop3A to %parallel_loop3A_557 step %parallel_loop3A_558  : i32 {
        %parallel_loop3A_576 = vector.broadcast %parallel_loop3A_575 : i32 to vector<16xi32>
        %parallel_loop3A_577 = tpu.vector_load_idx %arg11[%broadcast_in_dim3A, %parallel_loop3A_576] : memref<200x64xf32, #tpu.memory_space<vmem>>[vector<16xi32>, vector<16xi32>], vector<16xf32>,
        %parallel_loop3A_578 = vector.broadcast %parallel_loop3A_575 : i32 to vector<16xi32>
        %parallel_loop3A_579 = arith.addi %add3A_486, %parallel_loop3A_578 : vector<16xi32>
        %parallel_loop3A_580 = arith.constant 0 : i32
        %parallel_loop3A_581 = arith.constant 0 : i32
        %parallel_loop3A_582 = tpu.memref_slice %arg9[%rem3A_441, %parallel_loop3A_580, %parallel_loop3A_581] : memref<3x128x128xf32, #tpu.memory_space<vmem>> -> memref<1x128x128xf32, #tpu.memory_space<vmem>>
        %parallel_loop3A_583 = tpu.memref_squeeze %parallel_loop3A_582 : memref<1x128x128xf32, #tpu.memory_space<vmem>> -> memref<128x128xf32, #tpu.memory_space<vmem>>
        %parallel_loop3A_584 = tpu.vector_load_idx %parallel_loop3A_583[%sub3A, %parallel_loop3A_579] : memref<128x128xf32, #tpu.memory_space<vmem>>[vector<16xi32>, vector<16xi32>], vector<16xf32>,
        %parallel_loop3A_585 = arith.constant 8.000000e+00 : f32
        %parallel_loop3A_586 = vector.broadcast %parallel_loop3A_585 : f32 to vector<16xf32>
        %parallel_loop3A_587 = arith.mulf %parallel_loop3A_584, %parallel_loop3A_586 : vector<16xf32>
        %parallel_loop3A_588 = arith.addf %parallel_loop3A_587, %parallel_loop3A_577 : vector<16xf32>
        %parallel_loop3A_589 = arith.index_cast %rem3A_443 : i32 to index
        %parallel_loop3A_590 = arith.index_cast %parallel_loop3A_575 : i32 to index
        %parallel_loop3A_591 = arith.constant 0 : index
        %parallel_loop3A_592 = tpu.vector_load %arg10[%parallel_loop3A_589, %parallel_loop3A_590, %parallel_loop3A_591] {strides = array<i32>} : memref<2x64x128xf32, #tpu.memory_space<vmem>>, vector<16xf32>,
        tpu.vector_store %arg10[%parallel_loop3A_589, %parallel_loop3A_590, %parallel_loop3A_591], %parallel_loop3A_588 {strides = array<i32>} : memref<2x64x128xf32, #tpu.memory_space<vmem>>, vector<16xf32>,
        %parallel_loop3A_593 = vector.broadcast %parallel_loop3A_575 : i32 to vector<16xi32>
        %parallel_loop3A_594 = arith.addi %add3A_496, %parallel_loop3A_593 : vector<16xi32>
        %parallel_loop3A_595 = arith.constant 0 : i32
        %parallel_loop3A_596 = arith.constant 0 : i32
        %parallel_loop3A_597 = tpu.memref_slice %arg9[%rem3A_441, %parallel_loop3A_595, %parallel_loop3A_596] : memref<3x128x128xf32, #tpu.memory_space<vmem>> -> memref<1x128x128xf32, #tpu.memory_space<vmem>>
        %parallel_loop3A_598 = tpu.memref_squeeze %parallel_loop3A_597 : memref<1x128x128xf32, #tpu.memory_space<vmem>> -> memref<128x128xf32, #tpu.memory_space<vmem>>
        %parallel_loop3A_599 = tpu.vector_load_idx %parallel_loop3A_598[%sub3A, %parallel_loop3A_594] : memref<128x128xf32, #tpu.memory_space<vmem>>[vector<16xi32>, vector<16xi32>], vector<16xf32>,
        %parallel_loop3A_600 = arith.constant 8.000000e+00 : f32
        %parallel_loop3A_601 = vector.broadcast %parallel_loop3A_600 : f32 to vector<16xf32>
        %parallel_loop3A_602 = arith.mulf %parallel_loop3A_599, %parallel_loop3A_601 : vector<16xf32>
        %parallel_loop3A_603 = arith.addf %parallel_loop3A_602, %parallel_loop3A_577 : vector<16xf32>
        %parallel_loop3A_604 = arith.index_cast %rem3A_443 : i32 to index
        %parallel_loop3A_605 = arith.index_cast %parallel_loop3A_575 : i32 to index
        %parallel_loop3A_606 = arith.constant 16 : index
        %parallel_loop3A_607 = tpu.vector_load %arg10[%parallel_loop3A_604, %parallel_loop3A_605, %parallel_loop3A_606] {strides = array<i32>} : memref<2x64x128xf32, #tpu.memory_space<vmem>>, vector<16xf32>,
        tpu.vector_store %arg10[%parallel_loop3A_604, %parallel_loop3A_605, %parallel_loop3A_606], %parallel_loop3A_603 {strides = array<i32>} : memref<2x64x128xf32, #tpu.memory_space<vmem>>, vector<16xf32>,
        %parallel_loop3A_608 = vector.broadcast %parallel_loop3A_575 : i32 to vector<16xi32>
        %parallel_loop3A_609 = arith.addi %add3A_506, %parallel_loop3A_608 : vector<16xi32>
        %parallel_loop3A_610 = arith.constant 0 : i32
        %parallel_loop3A_611 = arith.constant 0 : i32
        %parallel_loop3A_612 = tpu.memref_slice %arg9[%rem3A_441, %parallel_loop3A_610, %parallel_loop3A_611] : memref<3x128x128xf32, #tpu.memory_space<vmem>> -> memref<1x128x128xf32, #tpu.memory_space<vmem>>
        %parallel_loop3A_613 = tpu.memref_squeeze %parallel_loop3A_612 : memref<1x128x128xf32, #tpu.memory_space<vmem>> -> memref<128x128xf32, #tpu.memory_space<vmem>>
        %parallel_loop3A_614 = tpu.vector_load_idx %parallel_loop3A_613[%sub3A, %parallel_loop3A_609] : memref<128x128xf32, #tpu.memory_space<vmem>>[vector<16xi32>, vector<16xi32>], vector<16xf32>,
        %parallel_loop3A_615 = arith.constant 8.000000e+00 : f32
        %parallel_loop3A_616 = vector.broadcast %parallel_loop3A_615 : f32 to vector<16xf32>
        %parallel_loop3A_617 = arith.mulf %parallel_loop3A_614, %parallel_loop3A_616 : vector<16xf32>
        %parallel_loop3A_618 = arith.addf %parallel_loop3A_617, %parallel_loop3A_577 : vector<16xf32>
        %parallel_loop3A_619 = arith.index_cast %rem3A_443 : i32 to index
        %parallel_loop3A_620 = arith.index_cast %parallel_loop3A_575 : i32 to index
        %parallel_loop3A_621 = arith.constant 32 : index
        %parallel_loop3A_622 = tpu.vector_load %arg10[%parallel_loop3A_619, %parallel_loop3A_620, %parallel_loop3A_621] {strides = array<i32>} : memref<2x64x128xf32, #tpu.memory_space<vmem>>, vector<16xf32>,
        tpu.vector_store %arg10[%parallel_loop3A_619, %parallel_loop3A_620, %parallel_loop3A_621], %parallel_loop3A_618 {strides = array<i32>} : memref<2x64x128xf32, #tpu.memory_space<vmem>>, vector<16xf32>,
        %parallel_loop3A_623 = vector.broadcast %parallel_loop3A_575 : i32 to vector<16xi32>
        %parallel_loop3A_624 = arith.addi %add3A_516, %parallel_loop3A_623 : vector<16xi32>
        %parallel_loop3A_625 = arith.constant 0 : i32
        %parallel_loop3A_626 = arith.constant 0 : i32
        %parallel_loop3A_627 = tpu.memref_slice %arg9[%rem3A_441, %parallel_loop3A_625, %parallel_loop3A_626] : memref<3x128x128xf32, #tpu.memory_space<vmem>> -> memref<1x128x128xf32, #tpu.memory_space<vmem>>
        %parallel_loop3A_628 = tpu.memref_squeeze %parallel_loop3A_627 : memref<1x128x128xf32, #tpu.memory_space<vmem>> -> memref<128x128xf32, #tpu.memory_space<vmem>>
        %parallel_loop3A_629 = tpu.vector_load_idx %parallel_loop3A_628[%sub3A, %parallel_loop3A_624] : memref<128x128xf32, #tpu.memory_space<vmem>>[vector<16xi32>, vector<16xi32>], vector<16xf32>,
        %parallel_loop3A_630 = arith.constant 8.000000e+00 : f32
        %parallel_loop3A_631 = vector.broadcast %parallel_loop3A_630 : f32 to vector<16xf32>
        %parallel_loop3A_632 = arith.mulf %parallel_loop3A_629, %parallel_loop3A_631 : vector<16xf32>
        %parallel_loop3A_633 = arith.addf %parallel_loop3A_632, %parallel_loop3A_577 : vector<16xf32>
        %parallel_loop3A_634 = arith.index_cast %rem3A_443 : i32 to index
        %parallel_loop3A_635 = arith.index_cast %parallel_loop3A_575 : i32 to index
        %parallel_loop3A_636 = arith.constant 48 : index
        %parallel_loop3A_637 = tpu.vector_load %arg10[%parallel_loop3A_634, %parallel_loop3A_635, %parallel_loop3A_636] {strides = array<i32>} : memref<2x64x128xf32, #tpu.memory_space<vmem>>, vector<16xf32>,
        tpu.vector_store %arg10[%parallel_loop3A_634, %parallel_loop3A_635, %parallel_loop3A_636], %parallel_loop3A_633 {strides = array<i32>} : memref<2x64x128xf32, #tpu.memory_space<vmem>>, vector<16xf32>,
        %parallel_loop3A_638 = vector.broadcast %parallel_loop3A_575 : i32 to vector<16xi32>
        %parallel_loop3A_639 = arith.addi %add3A_526, %parallel_loop3A_638 : vector<16xi32>
        %parallel_loop3A_640 = arith.constant 0 : i32
        %parallel_loop3A_641 = arith.constant 0 : i32
        %parallel_loop3A_642 = tpu.memref_slice %arg9[%rem3A_441, %parallel_loop3A_640, %parallel_loop3A_641] : memref<3x128x128xf32, #tpu.memory_space<vmem>> -> memref<1x128x128xf32, #tpu.memory_space<vmem>>
        %parallel_loop3A_643 = tpu.memref_squeeze %parallel_loop3A_642 : memref<1x128x128xf32, #tpu.memory_space<vmem>> -> memref<128x128xf32, #tpu.memory_space<vmem>>
        %parallel_loop3A_644 = tpu.vector_load_idx %parallel_loop3A_643[%sub3A, %parallel_loop3A_639] : memref<128x128xf32, #tpu.memory_space<vmem>>[vector<16xi32>, vector<16xi32>], vector<16xf32>,
        %parallel_loop3A_645 = arith.constant 8.000000e+00 : f32
        %parallel_loop3A_646 = vector.broadcast %parallel_loop3A_645 : f32 to vector<16xf32>
        %parallel_loop3A_647 = arith.mulf %parallel_loop3A_644, %parallel_loop3A_646 : vector<16xf32>
        %parallel_loop3A_648 = arith.addf %parallel_loop3A_647, %parallel_loop3A_577 : vector<16xf32>
        %parallel_loop3A_649 = arith.index_cast %rem3A_443 : i32 to index
        %parallel_loop3A_650 = arith.index_cast %parallel_loop3A_575 : i32 to index
        %parallel_loop3A_651 = arith.constant 64 : index
        %parallel_loop3A_652 = tpu.vector_load %arg10[%parallel_loop3A_649, %parallel_loop3A_650, %parallel_loop3A_651] {strides = array<i32>} : memref<2x64x128xf32, #tpu.memory_space<vmem>>, vector<16xf32>,
        tpu.vector_store %arg10[%parallel_loop3A_649, %parallel_loop3A_650, %parallel_loop3A_651], %parallel_loop3A_648 {strides = array<i32>} : memref<2x64x128xf32, #tpu.memory_space<vmem>>, vector<16xf32>,
        %parallel_loop3A_653 = vector.broadcast %parallel_loop3A_575 : i32 to vector<16xi32>
        %parallel_loop3A_654 = arith.addi %add3A_536, %parallel_loop3A_653 : vector<16xi32>
        %parallel_loop3A_655 = arith.constant 0 : i32
        %parallel_loop3A_656 = arith.constant 0 : i32
        %parallel_loop3A_657 = tpu.memref_slice %arg9[%rem3A_441, %parallel_loop3A_655, %parallel_loop3A_656] : memref<3x128x128xf32, #tpu.memory_space<vmem>> -> memref<1x128x128xf32, #tpu.memory_space<vmem>>
        %parallel_loop3A_658 = tpu.memref_squeeze %parallel_loop3A_657 : memref<1x128x128xf32, #tpu.memory_space<vmem>> -> memref<128x128xf32, #tpu.memory_space<vmem>>
        %parallel_loop3A_659 = tpu.vector_load_idx %parallel_loop3A_658[%sub3A, %parallel_loop3A_654] : memref<128x128xf32, #tpu.memory_space<vmem>>[vector<16xi32>, vector<16xi32>], vector<16xf32>,
        %parallel_loop3A_660 = arith.constant 8.000000e+00 : f32
        %parallel_loop3A_661 = vector.broadcast %parallel_loop3A_660 : f32 to vector<16xf32>
        %parallel_loop3A_662 = arith.mulf %parallel_loop3A_659, %parallel_loop3A_661 : vector<16xf32>
        %parallel_loop3A_663 = arith.addf %parallel_loop3A_662, %parallel_loop3A_577 : vector<16xf32>
        %parallel_loop3A_664 = arith.index_cast %rem3A_443 : i32 to index
        %parallel_loop3A_665 = arith.index_cast %parallel_loop3A_575 : i32 to index
        %parallel_loop3A_666 = arith.constant 80 : index
        %parallel_loop3A_667 = tpu.vector_load %arg10[%parallel_loop3A_664, %parallel_loop3A_665, %parallel_loop3A_666] {strides = array<i32>} : memref<2x64x128xf32, #tpu.memory_space<vmem>>, vector<16xf32>,
        tpu.vector_store %arg10[%parallel_loop3A_664, %parallel_loop3A_665, %parallel_loop3A_666], %parallel_loop3A_663 {strides = array<i32>} : memref<2x64x128xf32, #tpu.memory_space<vmem>>, vector<16xf32>,
        %parallel_loop3A_668 = vector.broadcast %parallel_loop3A_575 : i32 to vector<16xi32>
        %parallel_loop3A_669 = arith.addi %add3A_546, %parallel_loop3A_668 : vector<16xi32>
        %parallel_loop3A_670 = arith.constant 0 : i32
        %parallel_loop3A_671 = arith.constant 0 : i32
        %parallel_loop3A_672 = tpu.memref_slice %arg9[%rem3A_441, %parallel_loop3A_670, %parallel_loop3A_671] : memref<3x128x128xf32, #tpu.memory_space<vmem>> -> memref<1x128x128xf32, #tpu.memory_space<vmem>>
        %parallel_loop3A_673 = tpu.memref_squeeze %parallel_loop3A_672 : memref<1x128x128xf32, #tpu.memory_space<vmem>> -> memref<128x128xf32, #tpu.memory_space<vmem>>
        %parallel_loop3A_674 = tpu.vector_load_idx %parallel_loop3A_673[%sub3A, %parallel_loop3A_669] : memref<128x128xf32, #tpu.memory_space<vmem>>[vector<16xi32>, vector<16xi32>], vector<16xf32>,
        %parallel_loop3A_675 = arith.constant 8.000000e+00 : f32
        %parallel_loop3A_676 = vector.broadcast %parallel_loop3A_675 : f32 to vector<16xf32>
        %parallel_loop3A_677 = arith.mulf %parallel_loop3A_674, %parallel_loop3A_676 : vector<16xf32>
        %parallel_loop3A_678 = arith.addf %parallel_loop3A_677, %parallel_loop3A_577 : vector<16xf32>
        %parallel_loop3A_679 = arith.index_cast %rem3A_443 : i32 to index
        %parallel_loop3A_680 = arith.index_cast %parallel_loop3A_575 : i32 to index
        %parallel_loop3A_681 = arith.constant 96 : index
        %parallel_loop3A_682 = tpu.vector_load %arg10[%parallel_loop3A_679, %parallel_loop3A_680, %parallel_loop3A_681] {strides = array<i32>} : memref<2x64x128xf32, #tpu.memory_space<vmem>>, vector<16xf32>,
        tpu.vector_store %arg10[%parallel_loop3A_679, %parallel_loop3A_680, %parallel_loop3A_681], %parallel_loop3A_678 {strides = array<i32>} : memref<2x64x128xf32, #tpu.memory_space<vmem>>, vector<16xf32>,
        %parallel_loop3A_683 = vector.broadcast %parallel_loop3A_575 : i32 to vector<16xi32>
        %parallel_loop3A_684 = arith.addi %add3A_556, %parallel_loop3A_683 : vector<16xi32>
        %parallel_loop3A_685 = arith.constant 0 : i32
        %parallel_loop3A_686 = arith.constant 0 : i32
        %parallel_loop3A_687 = tpu.memref_slice %arg9[%rem3A_441, %parallel_loop3A_685, %parallel_loop3A_686] : memref<3x128x128xf32, #tpu.memory_space<vmem>> -> memref<1x128x128xf32, #tpu.memory_space<vmem>>
        %parallel_loop3A_688 = tpu.memref_squeeze %parallel_loop3A_687 : memref<1x128x128xf32, #tpu.memory_space<vmem>> -> memref<128x128xf32, #tpu.memory_space<vmem>>
        %parallel_loop3A_689 = tpu.vector_load_idx %parallel_loop3A_688[%sub3A, %parallel_loop3A_684] : memref<128x128xf32, #tpu.memory_space<vmem>>[vector<16xi32>, vector<16xi32>], vector<16xf32>,
        %parallel_loop3A_690 = arith.constant 8.000000e+00 : f32
        %parallel_loop3A_691 = vector.broadcast %parallel_loop3A_690 : f32 to vector<16xf32>
        %parallel_loop3A_692 = arith.mulf %parallel_loop3A_689, %parallel_loop3A_691 : vector<16xf32>
        %parallel_loop3A_693 = arith.addf %parallel_loop3A_692, %parallel_loop3A_577 : vector<16xf32>
        %parallel_loop3A_694 = arith.index_cast %rem3A_443 : i32 to index
        %parallel_loop3A_695 = arith.index_cast %parallel_loop3A_575 : i32 to index
        %parallel_loop3A_696 = arith.constant 112 : index
        %parallel_loop3A_697 = tpu.vector_load %arg10[%parallel_loop3A_694, %parallel_loop3A_695, %parallel_loop3A_696] {strides = array<i32>} : memref<2x64x128xf32, #tpu.memory_space<vmem>>, vector<16xf32>,
        tpu.vector_store %arg10[%parallel_loop3A_694, %parallel_loop3A_695, %parallel_loop3A_696], %parallel_loop3A_693 {strides = array<i32>} : memref<2x64x128xf32, #tpu.memory_space<vmem>>, vector<16xf32>,
      } {sc.loop_unroll_factor = 8 : i64, sc.parallel_access}
      %dma_start3A_559 = arith.constant 0 : i32
      %dma_start3A_560 = arith.constant 0 : i32
      %dma_start3A_561 = tpu.memref_slice %arg10[%rem3A_443, %dma_start3A_559, %dma_start3A_560] : memref<2x64x128xf32, #tpu.memory_space<vmem>> -> memref<1x64x128xf32, #tpu.memory_space<vmem>>
      %dma_start3A_562 = tpu.memref_squeeze %dma_start3A_561 : memref<1x64x128xf32, #tpu.memory_space<vmem>> -> memref<64x128xf32, #tpu.memory_space<vmem>>
      %dma_start3A_563 = arith.constant 0 : i32
      %dma_start3A_564 = tpu.memref_slice %arg5[%scan3A_437, %dma_start3A_563, %mul3A_2] : memref<200x64x4096xf32, #tpu.memory_space<hbm>> -> memref<1x64x128xf32, #tpu.memory_space<hbm>>
      %dma_start3A_565 = tpu.memref_squeeze %dma_start3A_564 : memref<1x64x128xf32, #tpu.memory_space<hbm>> -> memref<64x128xf32, #tpu.memory_space<hbm>>
      %dma_start3A_566 = tpu.memref_slice %arg14[%rem3A_443] : memref<2x!tpu.dma_semaphore, #tpu.memory_space<semaphore_mem>> -> memref<1x!tpu.dma_semaphore, #tpu.memory_space<semaphore_mem>>
      %dma_start3A_567 = tpu.memref_squeeze %dma_start3A_566 : memref<1x!tpu.dma_semaphore, #tpu.memory_space<semaphore_mem>> -> memref<!tpu.dma_semaphore, #tpu.memory_space<semaphore_mem>>
      %dma_start3A_568 = arith.constant 0 : i32
      %dma_start3A_569 = tpu.memref_slice %arg5[%scan3A_437, %dma_start3A_568, %mul3A_2] : memref<200x64x4096xf32, #tpu.memory_space<hbm>> -> memref<1x64x128xf32, #tpu.memory_space<hbm>>
      %dma_start3A_570 = tpu.memref_squeeze %dma_start3A_569 : memref<1x64x128xf32, #tpu.memory_space<hbm>> -> memref<64x128xf32, #tpu.memory_space<hbm>>
      %dma_start3A_571 = arith.constant 0 : i32
      %dma_start3A_572 = arith.constant 0 : i32
      %dma_start3A_573 = tpu.memref_slice %arg10[%rem3A_443, %dma_start3A_571, %dma_start3A_572] : memref<2x64x128xf32, #tpu.memory_space<vmem>> -> memref<1x64x128xf32, #tpu.memory_space<vmem>>
      %dma_start3A_574 = tpu.memref_squeeze %dma_start3A_573 : memref<1x64x128xf32, #tpu.memory_space<vmem>> -> memref<64x128xf32, #tpu.memory_space<vmem>>
      tpu.enqueue_dma source(%dma_start3A_574 : memref<64x128xf32, #tpu.memory_space<vmem>>) target(%dma_start3A_570 : memref<64x128xf32, #tpu.memory_space<hbm>>) target_semaphore(%dma_start3A_567 : memref<!tpu.dma_semaphore, #tpu.memory_space<semaphore_mem>>)
    }
    %scan3A_399 = arith.constant 200 : i32
    %dma_wait3A = arith.constant 0 : i32
    %dma_wait3A_400 = arith.constant 0 : i32
    %dma_wait3A_401 = arith.constant 0 : i32
    %dma_wait3A_402 = arith.constant 0 : i32
    %dma_wait3A_403 = arith.constant 0 : i32
    %dma_wait3A_404 = tpu.memref_slice %arg10[%dma_wait3A, %dma_wait3A_402, %dma_wait3A_403] : memref<2x64x128xf32, #tpu.memory_space<vmem>> -> memref<1x64x128xf32, #tpu.memory_space<vmem>>
    %dma_wait3A_405 = tpu.memref_squeeze %dma_wait3A_404 : memref<1x64x128xf32, #tpu.memory_space<vmem>> -> memref<64x128xf32, #tpu.memory_space<vmem>>
    %dma_wait3A_406 = arith.constant 0 : i32
    %dma_wait3A_407 = tpu.memref_slice %arg5[%dma_wait3A_400, %dma_wait3A_406, %mul3A_2] : memref<200x64x4096xf32, #tpu.memory_space<hbm>> -> memref<1x64x128xf32, #tpu.memory_space<hbm>>
    %dma_wait3A_408 = tpu.memref_squeeze %dma_wait3A_407 : memref<1x64x128xf32, #tpu.memory_space<hbm>> -> memref<64x128xf32, #tpu.memory_space<hbm>>
    %dma_wait3A_409 = tpu.memref_slice %arg14[%dma_wait3A_401] : memref<2x!tpu.dma_semaphore, #tpu.memory_space<semaphore_mem>> -> memref<1x!tpu.dma_semaphore, #tpu.memory_space<semaphore_mem>>
    %dma_wait3A_410 = tpu.memref_squeeze %dma_wait3A_409 : memref<1x!tpu.dma_semaphore, #tpu.memory_space<semaphore_mem>> -> memref<!tpu.dma_semaphore, #tpu.memory_space<semaphore_mem>>
    %dma_wait3A_411 = arith.constant 0 : i32
    %dma_wait3A_412 = tpu.memref_slice %arg5[%dma_wait3A_400, %dma_wait3A_411, %mul3A_2] : memref<200x64x4096xf32, #tpu.memory_space<hbm>> -> memref<1x64x128xf32, #tpu.memory_space<hbm>>
    %dma_wait3A_413 = tpu.memref_squeeze %dma_wait3A_412 : memref<1x64x128xf32, #tpu.memory_space<hbm>> -> memref<64x128xf32, #tpu.memory_space<hbm>>
    %dma_wait3A_414 = arith.constant 0 : i32
    %dma_wait3A_415 = arith.constant 0 : i32
    %dma_wait3A_416 = tpu.memref_slice %arg10[%dma_wait3A, %dma_wait3A_414, %dma_wait3A_415] : memref<2x64x128xf32, #tpu.memory_space<vmem>> -> memref<1x64x128xf32, #tpu.memory_space<vmem>>
    %dma_wait3A_417 = tpu.memref_squeeze %dma_wait3A_416 : memref<1x64x128xf32, #tpu.memory_space<vmem>> -> memref<64x128xf32, #tpu.memory_space<vmem>>
    tpu.wait_dma2 semaphore(%dma_wait3A_410 : memref<!tpu.dma_semaphore, #tpu.memory_space<semaphore_mem>>) src(%dma_wait3A_417 : memref<64x128xf32, #tpu.memory_space<vmem>>) dst(%dma_wait3A_413 : memref<64x128xf32, #tpu.memory_space<hbm>>)
    %dma_wait3A_418 = arith.constant 1 : i32
    %dma_wait3A_419 = arith.constant 0 : i32
    %dma_wait3A_420 = arith.constant 1 : i32
    %dma_wait3A_421 = arith.constant 0 : i32
    %dma_wait3A_422 = arith.constant 0 : i32
    %dma_wait3A_423 = tpu.memref_slice %arg10[%dma_wait3A_418, %dma_wait3A_421, %dma_wait3A_422] : memref<2x64x128xf32, #tpu.memory_space<vmem>> -> memref<1x64x128xf32, #tpu.memory_space<vmem>>
    %dma_wait3A_424 = tpu.memref_squeeze %dma_wait3A_423 : memref<1x64x128xf32, #tpu.memory_space<vmem>> -> memref<64x128xf32, #tpu.memory_space<vmem>>
    %dma_wait3A_425 = arith.constant 0 : i32
    %dma_wait3A_426 = tpu.memref_slice %arg5[%dma_wait3A_419, %dma_wait3A_425, %mul3A_2] : memref<200x64x4096xf32, #tpu.memory_space<hbm>> -> memref<1x64x128xf32, #tpu.memory_space<hbm>>
    %dma_wait3A_427 = tpu.memref_squeeze %dma_wait3A_426 : memref<1x64x128xf32, #tpu.memory_space<hbm>> -> memref<64x128xf32, #tpu.memory_space<hbm>>
    %dma_wait3A_428 = tpu.memref_slice %arg14[%dma_wait3A_420] : memref<2x!tpu.dma_semaphore, #tpu.memory_space<semaphore_mem>> -> memref<1x!tpu.dma_semaphore, #tpu.memory_space<semaphore_mem>>
    %dma_wait3A_429 = tpu.memref_squeeze %dma_wait3A_428 : memref<1x!tpu.dma_semaphore, #tpu.memory_space<semaphore_mem>> -> memref<!tpu.dma_semaphore, #tpu.memory_space<semaphore_mem>>
    %dma_wait3A_430 = arith.constant 0 : i32
    %dma_wait3A_431 = tpu.memref_slice %arg5[%dma_wait3A_419, %dma_wait3A_430, %mul3A_2] : memref<200x64x4096xf32, #tpu.memory_space<hbm>> -> memref<1x64x128xf32, #tpu.memory_space<hbm>>
    %dma_wait3A_432 = tpu.memref_squeeze %dma_wait3A_431 : memref<1x64x128xf32, #tpu.memory_space<hbm>> -> memref<64x128xf32, #tpu.memory_space<hbm>>
    %dma_wait3A_433 = arith.constant 0 : i32
    %dma_wait3A_434 = arith.constant 0 : i32
    %dma_wait3A_435 = tpu.memref_slice %arg10[%dma_wait3A_418, %dma_wait3A_433, %dma_wait3A_434] : memref<2x64x128xf32, #tpu.memory_space<vmem>> -> memref<1x64x128xf32, #tpu.memory_space<vmem>>
    %dma_wait3A_436 = tpu.memref_squeeze %dma_wait3A_435 : memref<1x64x128xf32, #tpu.memory_space<vmem>> -> memref<64x128xf32, #tpu.memory_space<vmem>>
    tpu.wait_dma2 semaphore(%dma_wait3A_429 : memref<!tpu.dma_semaphore, #tpu.memory_space<semaphore_mem>>) src(%dma_wait3A_436 : memref<64x128xf32, #tpu.memory_space<vmem>>) dst(%dma_wait3A_432 : memref<64x128xf32, #tpu.memory_space<hbm>>)
    return
  }
}

</mosaic_0001>

<sc_bundles>
// kernel: kernel.3.cloned.1.call-start
scs
__scs_entry_jumppad:
0x0: {  	(pc) =	sbr.rel $0x88, $3  }
0x1: {  	(tag) =	ssettag $0x0;
	lr =	simm.s32 $0x1  }
0x2: {  	[smem:$0x3F9E] =	sst lr;
	_ =	strace $0xD0000000  }
0x3: {  	_ = 	snop  }
0x4: {  	_ = 	snop  }
0x5: {  	_ = 	snop  }
0x6: {  	_ = 	snop  }
0x7: {  	_ = 	snop  }
__scs_overlays_trampoline_lowered:
0x8: {  	[smem:$0x3FAD] =	sst s0  }
0x9: {  	[smem:$0x3FAE] =	sst s1  }
0xa: {  	[smem:$0x3FAF] =	sst s2  }
0xb: {  	[smem:$0x3FB0] =	sst s3  }
0xc: {  	[smem:$0x3FB1] =	sst s4  }
0xd: {  	[smem:$0x3FB2] =	sst s5  }
0xe: {  	[smem:$0x3FB3] =	sst s6  }
0xf: {  	[smem:$0x3FB4] =	sst s7  }
0x10: {  	[smem:$0x3FB5] =	sst s8  }
0x11: {  	[smem:$0x3FB6] =	sst s9;
	s0 =	simm.s32 @!p0 $0x0  }
0x12: {  	s1 =	sld [smem:$0x3F9C];
	s0 =	simm.s32 @p0 $0x1  }
0x13: {  	[smem:$0x3FB7] =	sst s0;
	s0 =	simm.s32 @!p1 $0x0  }
0x14: {  	s2 =	sld [smem:$0x3F9B];
	s0 =	simm.s32 @p1 $0x1  }
0x15: {  	[smem:$0x3FB8] =	sst s0;
	s0 =	simm.s32 @!p2 $0x0  }
0x16: {  	s3 =	sld [smem:$0x3FDB];
	s0 =	simm.s32 @p2 $0x1  }
0x17: {  	s4 =	simm.s32 $0x1BF5;
	[smem:$0x3FBA] =	sst s0  }
0x18: {  	s0 =	sld [smem:$0x3F9D];
	_ =	swait.ge [sflag:s4], $0x0  }
0x19: {  	s7 =	sld [smem:$0x3F9E]  }
0x1a: {  	s8 =	sadd.s32 $0xFFFFE003, lr  }
0x1b: {  	s9 =	sadd.s32 $0xFFFFFEF7, lr;
	s5 =	simm.s32 $0xFFFFFFFF;
	p2 =	slt.u32 s8, $0xFFFFF086  }
0x1c: {  	p1 =	slt.u32 s9, $0xF7A;
	s5 =	simm.s32 @!p2 $0x0  }
0x1d: {  	s5 =	simm.s32 @p1 $0x1;
	p0 =	seq.s32 s7, s2  }
0x1e: {  	s7 =	smul.u32 @!p0 $0xF7A, s2;
	p2 =	seq.s32 @!p0 s5, $0x0  }
0x1f: {  	s9 =	smul.u32 $0xF7A, s1;
	s8 =	simm.s32 @!p0 $0x1BF5;
	p2 =	por !p2, p0  }
0x20: {  	[sflag:s8] =	ssyncset.s32 @!p0 $0xFFFFF086;
	s6 =	sadd.s32 @!p0 s3, s7;
	s7 =	simm.s32 @!p0 $0x108  }
0x21: {  	s3 =	sadd.s32 s3, s9;
	s6 =	sadd.s32 @!p0 $0x88, s6;
	s7 =	simm.s32 @p2 $0x1082  }
0x22: {  	[simem:s7], [sflag:s8] =	dma.local @!p0 [hbm:s6], $0xF7A  }
0x23: {  	s9 =	sor.u32 $0xD0000000, s2;
	s6 =	simm.s32 $0x108;
	_ =	swait.ge @!p0 [sflag:s8], $0x0  }
0x24: {  	s3 =	sadd.s32 $0x88, s3;
	s6 =	simm.s32 @!p1 $0x1082;
	[sflag:s4] =	ssyncset.s32 $0xFFFFF086  }
0x25: {  	[simem:s6], [sflag:s4] =	dma.local [hbm:s3], $0xF7A  }
0x26: {  	[smem:$0x3F9E] =	sst s1;
	(tag) =	ssettag s2;
	_ =	strace s9  }
0x27: {  	s1 =	sld [smem:$0x3FAE]  }
0x28: {  	s2 =	sld [smem:$0x3FAF]  }
0x29: {  	s4 =	sld [smem:$0x3FB1]  }
0x2a: {  	p0 =	seq.s32 s5, $0x0;
	s5 =	sld [smem:$0x3FB2]  }
0x2b: {  	s6 =	sld [smem:$0x3FB3]  }
0x2c: {  	s7 =	sld [smem:$0x3FB4]  }
0x2d: {  	s3 =	simm.s32 $0x108;
	s8 =	sld [smem:$0x3FB5]  }
0x2e: {  	s3 =	simm.s32 @!p0 $0x1082;
	s9 =	sld [smem:$0x3FB6]  }
0x2f: {  	lr =	sadd.s32 s0, s3;
	s0 =	sld [smem:$0x3FAD]  }
0x30: {  	s3 =	sld [smem:$0x3FB0]  }
0x31: {  	[smem:$0x3FB9] =	sst s10  }
0x32: {  	s10 =	sld [smem:$0x3FB7];
	_ =	sdelay $0x3  }
0x33: {  	p0 =	seq.s32 s10, $0x1;
	s10 =	sld [smem:$0x3FB9];
	_ =	sdelay $0x3  }
0x34: {  	[smem:$0x3FB9] =	sst s10  }
0x35: {  	s10 =	sld [smem:$0x3FB8];
	_ =	sdelay $0x3  }
0x36: {  	p1 =	seq.s32 s10, $0x1;
	s10 =	sld [smem:$0x3FB9];
	_ =	sdelay $0x3  }
0x37: {  	[smem:$0x3FB9] =	sst s10  }
0x38: {  	s10 =	sld [smem:$0x3FBA]  }
0x39: {  	_ = 	snop;
	(pc) =	sbr.ind lr, $3  }
0x3a: {  	_ = 	snop  }
0x3b: {  	_ = 	snop  }
0x3c: {  	p2 =	seq.s32 s10, $0x1;
	s10 =	sld [smem:$0x3FB9]  }
0x3d: {  	_ =	shalt  }
0x3e: {  	_ =	shalt  }
0x3f: {  	_ =	shalt  }
0x40: {  	_ =	shalt  }
0x41: {  	_ =	shalt  }
0x42: {  	_ =	shalt  }
0x43: {  	_ =	shalt  }
0x44: {  	_ =	shalt  }
0x45: {  	_ =	shalt  }
0x46: {  	_ =	shalt  }
0x47: {  	_ =	shalt  }
0x48: {  	_ =	shalt  }
0x49: {  	_ =	shalt  }
0x4a: {  	_ =	shalt  }
0x4b: {  	_ =	shalt  }
0x4c: {  	_ =	shalt  }
0x4d: {  	_ =	shalt  }
0x4e: {  	_ =	shalt  }
0x4f: {  	_ =	shalt  }
0x50: {  	_ =	shalt  }
0x51: {  	_ =	shalt  }
0x52: {  	_ =	shalt  }
0x53: {  	_ =	shalt  }
0x54: {  	_ =	shalt  }
0x55: {  	_ =	shalt  }
0x56: {  	_ =	shalt  }
0x57: {  	_ =	shalt  }
0x58: {  	_ =	shalt  }
0x59: {  	_ =	shalt  }
0x5a: {  	_ =	shalt  }
0x5b: {  	_ =	shalt  }
0x5c: {  	_ =	shalt  }
0x5d: {  	_ =	shalt  }
0x5e: {  	_ =	shalt  }
0x5f: {  	_ =	shalt  }
0x60: {  	_ =	shalt  }
0x61: {  	_ =	shalt  }
0x62: {  	_ =	shalt  }
0x63: {  	_ =	shalt  }
0x64: {  	_ =	shalt  }
0x65: {  	_ =	shalt  }
0x66: {  	_ =	shalt  }
0x67: {  	_ =	shalt  }
0x68: {  	_ =	shalt  }
0x69: {  	_ =	shalt  }
0x6a: {  	_ =	shalt  }
0x6b: {  	_ =	shalt  }
0x6c: {  	_ =	shalt  }
0x6d: {  	_ =	shalt  }
0x6e: {  	_ =	shalt  }
0x6f: {  	_ =	shalt  }
0x70: {  	_ =	shalt  }
0x71: {  	_ =	shalt  }
0x72: {  	_ =	shalt  }
0x73: {  	_ =	shalt  }
0x74: {  	_ =	shalt  }
0x75: {  	_ =	shalt  }
0x76: {  	_ =	shalt  }
0x77: {  	_ =	shalt  }
0x78: {  	_ =	shalt  }
0x79: {  	_ =	shalt  }
0x7a: {  	_ =	shalt  }
0x7b: {  	_ =	shalt  }
0x7c: {  	_ =	shalt  }
0x7d: {  	_ =	shalt  }
0x7e: {  	_ =	shalt  }
0x7f: {  	_ =	shalt  }
0x80: {  	_ =	shalt  }
0x81: {  	_ =	shalt  }
0x82: {  	_ =	shalt  }
0x83: {  	_ =	shalt  }
0x84: {  	_ =	shalt  }
0x85: {  	_ =	shalt  }
0x86: {  	_ =	shalt  }
0x87: {  	_ =	shalt  }
.Lfunc_end0:
.L_simem_size_0:
called_computation_lowered:
.L_overlay_start_0:
0x88: {  	s2 =	sld [smem:$0x3FD9]  }
0x89: {  	s3 =	sld [smem:$0x3FFE];
	_ =	sdelay $0x1  }
0x8a: {  	s1 =	srdreg.scid  }
0x8b: {  	s0 =	sand.u32 $0x1, s1  }
0x8c: {  	s17 =	sshll.u32 s0, $0xA;
	s2 =	sadd.s32 s3, s2  }
0x8d: {  	s2 =	sadd.s32 s2, s17  }
0x8e: {  	[smem:$0x3FC5] =	sst s2  }
0x8f: {  	_ = 	snop  }
0x90: {  	s2 =	sld [smem:$0x3FC9]  }
0x91: {  	s18 =	sld [smem:$0x3FD0];
	(tm) =	ssettm $0x1  }
0x92: {  	s4 =	sld [smem:$0x3FFB];
	_ =	sdelay $0x3  }
0x93: {  	_ =	strace s4  }
0x94: {  	s4 =	sld [smem:$0x3FFC];
	_ =	sdelay $0x3  }
0x95: {  	_ =	strace s4  }
0x96: {  	s4 =	sld [smem:$0x3FFD];
	_ =	sdelay $0x3  }
0x97: {  	_ =	strace s4  }
0x98: {  	_ =	strace $0x8FFFFFFF  }
0x99: {  	s19 =	sld [smem:$0x3FDB];
	_ =	sdelay $0x1  }
0x9a: {  	s5 =	simm.s32 $_scs_section_size  }
0x9b: {  	s6 =	simm.s32 $_size__tile_overlayer_lowered;
	s7 =	simm.s32 $_tile_overlayer_lowered  }
0x9c: {  	s22 =	simm.s32 $0x1BFF;
	s21 =	sshll.u32 s7, $0x1;
	s4 =	sadd.s32 s5, s19  }
0x9d: {  	s8 =	simm.s32 $0x0;
	s20 =	sshll.u32 s6, $0x1;
	s6 =	sadd.s32 s21, s4  }
0x9e: {  	[timem:s8], [sflag:s22] =	dma.local [hbm:s6], s20  }
0x9f: {  	_ =	swait.ge [sflag:s22], s20  }
0xa0: {  	s5 =	ssub.s32 $0x0, s20;
	[sflag:s22] =	ssyncset.done $0x0  }
0xa1: {  	[sflag:s22] =	ssyncadd.s32 s5;
	_ =	sdelay $0x1  }
0xa2: {  	s23 =	simm.s32 $0x1B8B  }
0xa3: {  	_ =	swait.ge [sflag:s23], $0x1  }
0xa4: {  	[sflag:s23] =	ssyncset.done $0x0  }
0xa5: {  	s25 =	simm.s32 $0x1B8E;
	s24 =	sld [smem:$0x3FFE];
	[sflag:s23] =	ssyncadd.s32 $0xFFFFFFFF  }
0xa6: {  	s26 =	simm.s32 $execute0_lowered;
	[smem:$0x3FD2] =	sst s25  }
0xa7: {  	s6 =	sshll.u32 s26, $0x1;
	_ =	strace $0x80000046;
	[dreg:$0x1] =	wrdreg $0xFFFFFFFF  }
0xa8: {  	s28 =	simm.s32 $_size_execute0_lowered;
	s4 =	sadd.s32 s4, s6;
	[dreg:$0x0] =	wrdreg $0x0  }
0xa9: {  	s6 =	sshll.u32 s28, $0x1;
	[dreg:$0x2] =	wrdreg s4  }
0xaa: {  	[dreg:$0x3] =	wrdreg s6  }
0xab: {  	[dreg:$0x4] =	wrdreg $0xC0  }
0xac: {  	_ =	task [dreg:s8], $0x5FFFF  }
0xad: {  	[dreg:$0x1] =	wrdreg $0xFFFFFFFF  }
0xae: {  	[dreg:$0x0] =	wrdreg $0x60  }
0xaf: {  	[dreg:$0x2] =	wrdreg s2  }
0xb0: {  	[dreg:$0x3] =	wrdreg s24  }
0xb1: {  	[dreg:$0x4] =	wrdreg s18  }
0xb2: {  	[dreg:$0x5] =	wrdreg $0x9  }
0xb3: {  	_ =	task.clear_ibuf [dreg:s8], $0x6FFFF;
	_ =	strace $0x90000046  }
0xb4: {  	s29 =	simm.s32 $0x9;
	_ =	strace $0x80000048  }
0xb5: {  	_ =	swait.ge [sflag:s29], $0x1  }
0xb6: {  	[sflag:s29] =	ssyncadd.s32 $0xFFFFFFFF  }
0xb7: {  	_ =	strace $0x90000048  }
0xb8: {  	_ =	sfence  }
0xb9: {  	s30 =	sld [smem:$0x0];
	_ =	sdelay $0x2  }
0xba: {  	s31 =	sshll.u32 s1, $0xD;
	s1 =	sshrl.u32 s1, $0x2  }
0xbb: {  	s3 =	sand.u32 $0x4000, s31;
	s1 =	sadd.s32 s1, s30  }
0xbc: {  	s0 =	sor.u32 s3, s0;
	s1 =	sshll.u32 s1, $0x11  }
0xbd: {  	s0 =	sor.u32 s1, s0  }
0xbe: {  	s0 =	sadd.s32 $0x8F2B, s0  }
0xbf: {  	[sflag:s0] =	ssyncadd.remote.s32 $0x1  }
0xc0: {  	_ =	sfence.sel $0xFFFF  }
0xc1: {  	[dreg:$0x0] =	wrdreg $0xFFFFFFFF;
	(pc) =	sbr.abs _section_cstart, $3  }
0xc2: {  	[dreg:$0x1] =	wrdreg $0xFFFFFFFF  }
0xc3: {  	_ =	task.clear_ibuf [dreg:s8], $0x2FFFF;
	_ =	strace $0x9FFFFFFF  }
0xc4: {  	(tm) =	ssettm $0x7FFFFFFF  }
0xc5: {  	_ =	shalt  }
tec
execute0_lowered:
.L_overlay_start_1:
0x0: {  	(tag) =	ssettag $0x1  }
0x1: {  	s8 =	rddreg [dreg:$0x0]  }
0x2: {  	s0 =	rddreg [dreg:$0x1]  }
0x3: {  	s2 =	rddreg [dreg:$0x2];
	s4 =	simm.s32 $0x0;
	s1 =	srdreg.scid  }
0x4: {  	s5 =	stileid.u32;
	s10 =	simm.s32 $0x10C00;
	s12 =	simm.s32 $0x80  }
0x5: {  	[smem:$0x7FF] =	sst s4;
	s1 =	sand.u32 $0x1, s1;
	s5 =	sshll.u32 s5, $0xB  }
0x6: {  	v0 =	vlaneseq.u32;
	s6 =	sadd.s32 $0xF42A00, s0;
	s3 =	ssub.s32 $0x2, s1;
	s1 =	sshll.u32 s1, $0xA  }
.Ltmp0:
0x7: {  	s0 =	sadd.s32 $0x600, s0;
	v0 =	vmul.u32 $0x80, v0;
	s5 =	sor.u32 s1, s5;
	(pc) =	sbr.rel .LBB2_1-.Ltmp0, $4  }
0x8: {  	_ =	strace $0x80000047;
	s7 =	sshrl.u32 s3, $0x1;
	s29 =	sshrl.u32 s5, $0x3  }
0x9: {  	[dreg:$0x4] =	wrdreg s0;
	v1 =	vor.u32 $0x800, v0;
	s28 =	ssub.s32 s3, s7;
	s30 =	sadd.s32 s8, s29  }
0xa: {  	s17 =	simm.s32 $0x400;
	v2 =	vor.u32 $0x1000, v0;
	v3 =	vor.u32 $0x1800, v0;
	v4 =	vor.u32 $0x2000, v0;
	s31 =	smax.u32 s28, $0x1;
	[dreg:$0x5] =	wrdreg s30  }
0xb: {  	s18 =	simm.s32 $0x8000;
	v5 =	vor.u32 $0x2800, v0;
	v6 =	vor.u32 $0x3000, v0;
	v7 =	vor.u32 $0x3800, v0;
	s3 =	simm.s32 $0x0;
	[dreg:$0x6] =	wrdreg s31  }
.LBB2_10:
0xc: {  	s0 =	simm.s32 $0x6  }
0xd: {  	_ =	swait.ge [sflag:s0], $0x2000  }
0xe: {  	[sflag:s0] =	ssyncset.done $0x0  }
0xf: {  	s1 =	simm.s32 $0x7;
	[sflag:s0] =	ssyncadd.s32 $0xFFFFE000  }
0x10: {  	_ =	swait.ge [sflag:s1], $0x2000  }
0x11: {  	s3 =	rddreg [dreg:$0x7]  }
0x12: {  	s31 =	rddreg [dreg:$0x6];
	s3 =	sadd.s32 $0x1, s3  }
0x13: {  	p0 =	sne.s32 s3, s31  }
.Ltmp1:
0x14: {  	_ = 	snop;
	(pc) =	sbr.rel @!p0 .LBB2_11-.Ltmp1, $3  }
0x15: {  	_ =	sdelay $0x1  }
0x16: {  	[sflag:s1] =	ssyncset.done $0x0  }
0x17: {  	[sflag:s1] =	ssyncadd.s32 $0xFFFFE000  }
.LBB2_1:
0x18: {  	[dreg:$0x7] =	wrdreg s3  }
0x19: {  	s0 =	rddreg [dreg:$0x4];
	s1 =	simm.s32 $0x8  }
0x1a: {  	[tilespmem:s10], [sflag:$0x8] =	stream.linear.gather [hbm4b:s0+s4], $0x6400, $0x38;
	[tilespmem:$0x17000] =	vst v63  }
0x1b: {  	_ =	swait.ge [sflag:s1], $0x6400  }
0x1c: {  	[sflag:s1] =	ssyncset.done $0x0  }
0x1d: {  	s26 =	rddreg [dreg:$0x5];
	[sflag:s1] =	ssyncadd.s32 $0xFFFF9C00  }
0x1e: {  	[tilespmem:s4], [sflag:$0x8] =	stream.linear.gather [hbm4b:s26+s4], $0x400, $0x38;
	[tilespmem:$0x17000] =	vst v63  }
0x1f: {  	_ =	swait.ge [sflag:s1], $0x400  }
0x20: {  	[sflag:s1] =	ssyncset.done $0x0  }
0x21: {  	[sflag:s1] =	ssyncadd.s32 $0xFFFFFC00  }
0x22: {  	v8 =	vld [tilespmem:$0x0];
	_ =	sdelay $0x1  }
0x23: {  	v9 =	vld [tilespmem:$0x10];
	_ =	sdelay $0x1  }
0x24: {  	v10 =	vld [tilespmem:$0x20]  }
0x25: {  	v11 =	vshrl.u32 v8, $0x1;
	v8 =	vshll.u32 v8, $0x6  }
0x26: {  	v49 =	vld [tilespmem:$0x30];
	[tilespmem:$0x800] =	vst v11;
	v8 =	vand.u32 $0x40, v8  }
0x27: {  	[tilespmem:$0xA00] =	vst v8;
	v8 =	vshrl.u32 v9, $0x1;
	v9 =	vshll.u32 v9, $0x6  }
0x28: {  	v50 =	vld [tilespmem:$0x40];
	[tilespmem:$0x810] =	vst v8;
	v8 =	vand.u32 $0x40, v9  }
0x29: {  	[tilespmem:$0xA10] =	vst v8;
	v8 =	vshrl.u32 v10, $0x1;
	v10 =	vshll.u32 v10, $0x6  }
0x2a: {  	v51 =	vld [tilespmem:$0x50];
	[tilespmem:$0x820] =	vst v8;
	v8 =	vand.u32 $0x40, v10  }
0x2b: {  	v11 =	vshll.u32 v49, $0x6;
	[tilespmem:$0xA20] =	vst v8;
	v8 =	vshrl.u32 v49, $0x1  }
0x2c: {  	v52 =	vld [tilespmem:$0x60];
	[tilespmem:$0x830] =	vst v8;
	v8 =	vand.u32 $0x40, v11  }
0x2d: {  	v9 =	vshll.u32 v50, $0x6;
	[tilespmem:$0xA30] =	vst v8;
	v8 =	vshrl.u32 v50, $0x1  }
0x2e: {  	v53 =	vld [tilespmem:$0x70];
	[tilespmem:$0x840] =	vst v8;
	v8 =	vand.u32 $0x40, v9  }
0x2f: {  	v10 =	vshll.u32 v51, $0x6;
	[tilespmem:$0xA40] =	vst v8;
	v8 =	vshrl.u32 v51, $0x1  }
0x30: {  	[tilespmem:$0x850] =	vst v8;
	v8 =	vand.u32 $0x40, v10  }
0x31: {  	v54 =	vshll.u32 v52, $0x6;
	[tilespmem:$0xA50] =	vst v8;
	v8 =	vshrl.u32 v52, $0x1  }
0x32: {  	[tilespmem:$0x860] =	vst v8;
	v8 =	vand.u32 $0x40, v54  }
0x33: {  	v9 =	vshll.u32 v53, $0x6;
	[tilespmem:$0xA60] =	vst v8;
	v8 =	vshrl.u32 v53, $0x1  }
0x34: {  	[tilespmem:$0x870] =	vst v8;
	v8 =	vand.u32 $0x40, v9  }
0x35: {  	s28 =	simm.s32 $0x800;
	s29 =	simm.s32 $0xC00;
	[tilespmem:$0xA70] =	vst v8  }
0x36: {  	[tilespmem:s29], [sflag:$0x3] =	stream.indirect.gather [hbm4b:s6+s12], $0x80, s28, s12, $0xb8;
	[tilespmem:$0x17000] =	vst v63  }
0x37: {  	v8 =	vld [tilespmem:$0x80];
	_ =	sdelay $0x1  }
0x38: {  	v55 =	vld [tilespmem:$0x90];
	_ =	sdelay $0x1  }
0x39: {  	v56 =	vld [tilespmem:$0xA0]  }
0x3a: {  	v57 =	vshrl.u32 v8, $0x1;
	v8 =	vshll.u32 v8, $0x6  }
0x3b: {  	v58 =	vld [tilespmem:$0xB0];
	[tilespmem:$0x880] =	vst v57;
	v8 =	vand.u32 $0x40, v8  }
0x3c: {  	v9 =	vshll.u32 v55, $0x6;
	[tilespmem:$0xA80] =	vst v8;
	v8 =	vshrl.u32 v55, $0x1  }
0x3d: {  	v59 =	vld [tilespmem:$0xC0];
	[tilespmem:$0x890] =	vst v8;
	v8 =	vand.u32 $0x40, v9  }
0x3e: {  	v10 =	vshll.u32 v56, $0x6;
	[tilespmem:$0xA90] =	vst v8;
	v8 =	vshrl.u32 v56, $0x1  }
0x3f: {  	v60 =	vld [tilespmem:$0xD0];
	[tilespmem:$0x8A0] =	vst v8;
	v8 =	vand.u32 $0x40, v10  }
0x40: {  	v11 =	vshll.u32 v58, $0x6;
	[tilespmem:$0xAA0] =	vst v8;
	v8 =	vshrl.u32 v58, $0x1  }
0x41: {  	v61 =	vld [tilespmem:$0xE0];
	[tilespmem:$0x8B0] =	vst v8;
	v8 =	vand.u32 $0x40, v11  }
0x42: {  	v9 =	vshll.u32 v59, $0x6;
	[tilespmem:$0xAB0] =	vst v8;
	v8 =	vshrl.u32 v59, $0x1  }
0x43: {  	v62 =	vld [tilespmem:$0xF0];
	[tilespmem:$0x8C0] =	vst v8;
	v8 =	vand.u32 $0x40, v9  }
0x44: {  	v10 =	vshll.u32 v60, $0x6;
	[tilespmem:$0xAC0] =	vst v8;
	v8 =	vshrl.u32 v60, $0x1  }
0x45: {  	[tilespmem:$0x8D0] =	vst v8;
	v8 =	vand.u32 $0x40, v10  }
0x46: {  	v63 =	vshll.u32 v61, $0x6;
	[tilespmem:$0xAD0] =	vst v8;
	v8 =	vshrl.u32 v61, $0x1  }
0x47: {  	[tilespmem:$0x8E0] =	vst v8;
	v8 =	vand.u32 $0x40, v63  }
0x48: {  	v9 =	vshll.u32 v62, $0x6;
	[tilespmem:$0xAE0] =	vst v8;
	v8 =	vshrl.u32 v62, $0x1  }
0x49: {  	s30 =	simm.s32 $0x880;
	[tilespmem:$0x8F0] =	vst v8;
	v8 =	vand.u32 $0x40, v9  }
0x4a: {  	s31 =	simm.s32 $0x4C00;
	p0 =	por $0x0, $0x0;
	s22 =	simm.s32 $0x0;
	[tilespmem:$0xAF0] =	vst v8  }
0x4b: {  	[tilespmem:s31], [sflag:$0x4] =	stream.indirect.gather [hbm4b:s6+s12], $0x80, s30, s12, $0xb8;
	[tilespmem:$0x17000] =	vst v63  }
.LBB2_2:
0x4c: {  	s3 =	sand.u32 $0x7, s22;
	p1 =	sgt.u32 s22, $0xBF  }
0x4d: {  	p2 =	sne.s32 @!p1 s3, $0x0  }
0x4e: {  	p1 =	por p1, p2  }
.Ltmp2:
0x4f: {  	_ = 	snop;
	(pc) =	sbr.rel @p1 .LBB2_4-.Ltmp2, $4  }
0x50: {  	_ = 	snop  }
0x51: {  	s0 =	sadd.s32 $0x2, s22  }
0x52: {  	s1 =	sshrl.u32 s0, $0x3  }
0x53: {  	s1 =	sand.u32 $0x1, s1  }
0x54: {  	s3 =	sshrl.u32 s22, $0x3  }
0x55: {  	s3 =	sadd.s32 $0x1, s3  }
0x56: {  	s7 =	sshll.u32 s3, $0xF  }
0x57: {  	s7 =	sor.u32 s5, s7  }
0x58: {  	s9 =	rddreg [dreg:$0x0];
	s3 =	sand.u32 $0x1, s3;
	s7 =	sshrl.u32 s7, $0x3  }
0x59: {  	s8 =	sshll.u32 s3, $0xA;
	s3 =	sadd.s32 $0x1, s3;
	s7 =	sadd.s32 s9, s7  }
0x5a: {  	[tilespmem:s8], [sflag:s3] =	stream.linear.gather [hbm4b:s7+s4], $0x400, $0x38;
	[tilespmem:$0x17000] =	vst v63  }
.LBB2_6:
0x5b: {  	s3 =	sand.u32 $0xFF, s0;
	s7 =	sshll.u32 s0, $0x7  }
0x5c: {  	s1 =	sshll.u32 s1, $0xA;
	s3 =	smul.u32 $0xAB, s3;
	s7 =	sand.u32 $0x380, s7  }
0x5d: {  	s1 =	sor.u32 s7, s1  }
0x5e: {  	s3 =	sshrl.u32 s3, $0x9;
	v8 =	vld [tilespmem:s1+$0x0]  }
0x5f: {  	s3 =	smul.u32 $0x3, s3;
	_ =	sdelay $0x1  }
0x60: {  	s28 =	ssub.s32 s0, s3  }
0x61: {  	s0 =	sand.u32 $0xFF, s28  }
0x62: {  	v9 =	vshrl.u32 v8, $0x1;
	s29 =	sshll.u32 s0, $0x7;
	v8 =	vshll.u32 v8, $0x6  }
0x63: {  	[tilespmem:s29+$0x800] =	vst v9;
	v8 =	vand.u32 $0x40, v8  }
0x64: {  	[tilespmem:s29+$0xA00] =	vst v8  }
0x65: {  	v8 =	vld [tilespmem:s1+$0x10];
	_ =	sdelay $0x4  }
0x66: {  	v57 =	vshrl.u32 v8, $0x1;
	v8 =	vshll.u32 v8, $0x6  }
0x67: {  	[tilespmem:s29+$0x810] =	vst v57;
	v8 =	vand.u32 $0x40, v8  }
0x68: {  	[tilespmem:s29+$0xA10] =	vst v8  }
0x69: {  	v8 =	vld [tilespmem:s1+$0x20];
	_ =	sdelay $0x4  }
0x6a: {  	v58 =	vshrl.u32 v8, $0x1;
	v8 =	vshll.u32 v8, $0x6  }
0x6b: {  	[tilespmem:s29+$0x820] =	vst v58;
	v8 =	vand.u32 $0x40, v8  }
0x6c: {  	[tilespmem:s29+$0xA20] =	vst v8  }
0x6d: {  	v8 =	vld [tilespmem:s1+$0x30];
	_ =	sdelay $0x4  }
0x6e: {  	v59 =	vshrl.u32 v8, $0x1;
	v8 =	vshll.u32 v8, $0x6  }
0x6f: {  	[tilespmem:s29+$0x830] =	vst v59;
	v8 =	vand.u32 $0x40, v8  }
0x70: {  	[tilespmem:s29+$0xA30] =	vst v8  }
0x71: {  	v8 =	vld [tilespmem:s1+$0x40];
	_ =	sdelay $0x4  }
0x72: {  	v60 =	vshrl.u32 v8, $0x1;
	v8 =	vshll.u32 v8, $0x6  }
0x73: {  	[tilespmem:s29+$0x840] =	vst v60;
	v8 =	vand.u32 $0x40, v8  }
0x74: {  	[tilespmem:s29+$0xA40] =	vst v8  }
0x75: {  	v8 =	vld [tilespmem:s1+$0x50];
	_ =	sdelay $0x4  }
0x76: {  	v61 =	vshrl.u32 v8, $0x1;
	v8 =	vshll.u32 v8, $0x6  }
0x77: {  	[tilespmem:s29+$0x850] =	vst v61;
	v8 =	vand.u32 $0x40, v8  }
0x78: {  	[tilespmem:s29+$0xA50] =	vst v8  }
0x79: {  	v8 =	vld [tilespmem:s1+$0x60];
	_ =	sdelay $0x4  }
0x7a: {  	v62 =	vshrl.u32 v8, $0x1;
	v8 =	vshll.u32 v8, $0x6  }
0x7b: {  	[tilespmem:s29+$0x860] =	vst v62;
	v8 =	vand.u32 $0x40, v8  }
0x7c: {  	[tilespmem:s29+$0xA60] =	vst v8  }
0x7d: {  	v8 =	vld [tilespmem:s1+$0x70];
	_ =	sdelay $0x4  }
0x7e: {  	v63 =	vshrl.u32 v8, $0x1;
	v8 =	vshll.u32 v8, $0x6  }
0x7f: {  	s30 =	sshll.u32 s0, $0xE;
	[tilespmem:s29+$0x870] =	vst v63;
	v8 =	vand.u32 $0x40, v8  }
0x80: {  	s0 =	sadd.s32 $0x3, s0;
	s31 =	sadd.s32 $0x800, s29;
	s1 =	sor.u32 $0xC00, s30;
	[tilespmem:s29+$0xA70] =	vst v8  }
0x81: {  	[tilespmem:s1], [sflag:s0] =	stream.indirect.gather [hbm4b:s6+s12], $0x80, s31, s12, $0xb8;
	[tilespmem:$0x17000] =	vst v63  }
.LBB2_7:
0x82: {  	s0 =	smul.u32 $0xAB, s22;
	_ =	sdelay $0x1  }
0x83: {  	s0 =	sshrl.u32 s0, $0x9  }
0x84: {  	s0 =	sand.u32 $0x7F, s0  }
0x85: {  	s0 =	smul.u32 $0x3, s0;
	_ =	sdelay $0x1  }
0x86: {  	s0 =	ssub.s32 s22, s0  }
0x87: {  	s1 =	sand.u32 $0xFF, s0  }
0x88: {  	s0 =	sadd.s32 $0x3, s1  }
0x89: {  	_ =	swait.ge [sflag:s0], $0x4000  }
0x8a: {  	s23 =	sand.u32 $0x1, s22;
	p1 =	slt.u32 s22, $0x2;
	[sflag:s0] =	ssyncset.done $0x0  }
0x8b: {  	[sflag:s0] =	ssyncadd.s32 $0xFFFFC000;
	s0 =	sor.u32 @!p1 $0x6, s23  }
0x8c: {  	_ =	swait.ge @!p1 [sflag:s0], $0x2000  }
0x8d: {  	[sflag:s0] =	ssyncset.done @!p1 $0x0  }
0x8e: {  	s3 =	sshll.u32 s1, $0x7;
	[sflag:s0] =	ssyncadd.s32 @!p1 $0xFFFFE000  }
0x8f: {  	v8 =	vld [tilespmem:s3+$0xA00]  }
0x90: {  	s20 =	sshll.u32 s22, $0x7;
	v9 =	vld [tilespmem:s3+$0xA10]  }
0x91: {  	s16 =	simm.s32 $0x1;
	v27 =	vmov s20;
	v12 =	vld [tilespmem:s3+$0xA20]  }
0x92: {  	s31 =	simm.s32 $0x3;
	v11 =	vor.u32 s16, v27;
	v17 =	vld [tilespmem:s3+$0xA30]  }
0x93: {  	v14 =	vor.u32 s31, v27;
	s0 =	simm.s32 $0x2;
	v20 =	vld [tilespmem:s3+$0xA40]  }
0x94: {  	s25 =	simm.s32 $0x0;
	v23 =	vld [tilespmem:s3+$0xA50];
	v13 =	vor.u32 s0, v27;
	v29 =	vadd.s32 v0, v8  }
0x95: {  	v24 =	vld [tilespmem:s3+$0xA60];
	v10 =	vadd.s32 s25, v29  }
0x96: {  	v18 =	vld [tilespmem:s3+$0xA70];
	v16 =	vadd.s32 s16, v29  }
0x97: {  	s14 =	simm.s32 $0x7;
	v15 =	vld.idx.msk [tilespmem:v11+s10+$0x0], $0xffff;
	v11 =	vadd.s32 s0, v29  }
0x98: {  	v21 =	vor.u32 s14, v27;
	s1 =	sshll.u32 s1, $0xE;
	v14 =	vld.idx.msk [tilespmem:v14+s10+$0x0], $0xffff  }
0x99: {  	s24 =	sor.u32 $0xC00, s1;
	v13 =	vld.idx.msk [tilespmem:v13+s10+$0x0], $0xffff;
	v22 =	vadd.s32 s31, v29  }
0x9a: {  	s30 =	simm.s32 $0x5;
	v19 =	vld.idx.msk [tilespmem:v10+s24+$0x0], $0xffff;
	v10 =	vadd.s32 s14, v29  }
0x9b: {  	s29 =	simm.s32 $0x4;
	v32 =	vadd.s32 s30, v29;
	v26 =	vld.idx.msk [tilespmem:v16+s24+$0x0], $0xffff  }
0x9c: {  	v25 =	vor.u32 s29, v27;
	v11 =	vld.idx.msk [tilespmem:v11+s24+$0x0], $0xffff  }
0x9d: {  	s26 =	simm.s32 $0x6;
	v30 =	vadd.s32 s29, v29;
	v16 =	vld.idx.msk [tilespmem:v21+s10+$0x0], $0xffff  }
0x9e: {  	v33 =	vadd.s32 s26, v29;
	v22 =	vld.idx.msk [tilespmem:v22+s24+$0x0], $0xffff  }
0x9f: {  	v8 =	vor.u32 s25, v27;
	v31 =	vld.idx.msk [tilespmem:v10+s24+$0x0], $0xffff  }
0xa0: {  	v28 =	vadd.s32 v1, v9;
	v9 =	vor.u32 s26, v27;
	v32 =	vld.idx.msk [tilespmem:v32+s24+$0x0], $0xffff  }
0xa1: {  	v21 =	vor.u32 s30, v27;
	v10 =	vld.idx.msk [tilespmem:v25+s10+$0x0], $0xffff  }
0xa2: {  	s1 =	simm.s32 $0x1;
	v35 =	vadd.s32 s0, v28;
	v25 =	vld.idx.msk [tilespmem:v30+s24+$0x0], $0xffff;
	v36 =	vmul.f32 $8.000000000e+00, v11  }
0xa3: {  	s1 =	simm.s32 @!p0 $0x0;
	v33 =	vld.idx.msk [tilespmem:v33+s24+$0x0], $0xffff;
	v26 =	vmul.f32 $8.000000000e+00, v26  }
0xa4: {  	s1 =	sshll.u32 s1, $0xD;
	v8 =	vld.idx.msk [tilespmem:v8+s10+$0x0], $0xffff;
	v36 =	vadd.f32 v36, v13;
	v30 =	vmul.f32 $8.000000000e+00, v31;
	v31 =	vadd.s32 s14, v28  }
0xa5: {  	s15 =	sor.u32 $0xCE00, s1;
	v34 =	vadd.s32 s16, v28;
	v9 =	vld.idx.msk [tilespmem:v9+s10+$0x0], $0xffff;
	v22 =	vmul.f32 $8.000000000e+00, v22;
	v26 =	vadd.f32 v26, v15  }
0xa6: {  	v11 =	vld.idx.msk [tilespmem:v21+s10+$0x0], $0xffff;
	v21 =	vadd.s32 s31, v28;
	[tilespmem:s15+$0xFFFFFF00] =	vst v36;
	v30 =	vadd.f32 v30, v16  }
0xa7: {  	v19 =	vmul.f32 $8.000000000e+00, v19;
	v22 =	vadd.f32 v22, v14;
	[tilespmem:s15+$0xFFFFFE80] =	vst v26;
	v25 =	vmul.f32 $8.000000000e+00, v25;
	v35 =	vld.idx.msk [tilespmem:v35+s24+$0x0], $0xffff  }
0xa8: {  	v52 =	vadd.s32 s26, v28;
	v32 =	vmul.f32 $8.000000000e+00, v32;
	v33 =	vmul.f32 $8.000000000e+00, v33;
	[tilespmem:s15+$0x180] =	vst v30  }
0xa9: {  	v19 =	vadd.f32 v19, v8;
	[tilespmem:s15+$0xFFFFFF80] =	vst v22;
	v22 =	vadd.f32 v25, v10;
	v30 =	vadd.s32 s29, v28;
	v26 =	vld.idx.msk [tilespmem:v31+s24+$0x0], $0xffff  }
0xaa: {  	v34 =	vld.idx.msk [tilespmem:v34+s24+$0x0], $0xffff;
	v25 =	vadd.s32 v2, v12;
	v12 =	vadd.f32 v33, v9;
	v31 =	vadd.s32 s30, v28  }
0xab: {  	v37 =	vadd.s32 s25, v28;
	[tilespmem:s15+$0xFFFFFE00] =	vst v19  }
0xac: {  	v21 =	vld.idx.msk [tilespmem:v21+s24+$0x0], $0xffff;
	v32 =	vadd.f32 v32, v11;
	v55 =	vadd.s32 s0, v25;
	[tilespmem:s15+$0x100] =	vst v12;
	v54 =	vmul.f32 $8.000000000e+00, v35  }
0xad: {  	[tilespmem:s15+$0x0] =	vst v22;
	v19 =	vld.idx.msk [tilespmem:v52+s24+$0x0], $0xffff  }
0xae: {  	[tilespmem:s15+$0x80] =	vst v32;
	v33 =	vadd.f32 v54, v13;
	v22 =	vld.idx.msk [tilespmem:v30+s24+$0x0], $0xffff;
	v30 =	vadd.s32 s14, v25;
	v26 =	vmul.f32 $8.000000000e+00, v26  }
0xaf: {  	s28 =	simm.s32 $0x8;
	v53 =	vadd.s32 s16, v25;
	v12 =	vmul.f32 $8.000000000e+00, v34;
	v31 =	vld.idx.msk [tilespmem:v31+s24+$0x0], $0xffff  }
0xb0: {  	v58 =	vor.u32 s28, v27;
	v56 =	vld.idx.msk [tilespmem:v37+s24+$0x0], $0xffff;
	[tilespmem:s15+$0xFFFFFF10] =	vst v33;
	v26 =	vadd.f32 v26, v16  }
0xb1: {  	v57 =	vadd.s32 s31, v25;
	v21 =	vmul.f32 $8.000000000e+00, v21;
	v12 =	vadd.f32 v12, v15;
	v33 =	vld.idx.msk [tilespmem:v55+s24+$0x0], $0xffff  }
0xb2: {  	v59 =	vadd.s32 s26, v25;
	v19 =	vmul.f32 $8.000000000e+00, v19;
	[tilespmem:s15+$0x190] =	vst v26  }
0xb3: {  	[tilespmem:s15+$0xFFFFFE90] =	vst v12;
	v12 =	vadd.f32 v21, v14;
	v21 =	vmul.f32 $8.000000000e+00, v22;
	v26 =	vadd.s32 s29, v25;
	v30 =	vld.idx.msk [tilespmem:v30+s24+$0x0], $0xffff  }
0xb4: {  	v32 =	vld.idx.msk [tilespmem:v53+s24+$0x0], $0xffff;
	v19 =	vadd.f32 v19, v9;
	v22 =	vmul.f32 $8.000000000e+00, v31;
	v31 =	vadd.s32 s30, v25  }
0xb5: {  	v60 =	vadd.s32 s28, v29;
	v35 =	vmul.f32 $8.000000000e+00, v56;
	[tilespmem:s15+$0xFFFFFF90] =	vst v12;
	v12 =	vld.idx.msk [tilespmem:v58+s10+$0x0], $0xffff;
	v21 =	vadd.f32 v21, v10  }
0xb6: {  	s3 =	simm.s32 $0x9;
	v38 =	vadd.s32 s25, v25;
	v36 =	vld.idx.msk [tilespmem:v57+s24+$0x0], $0xffff;
	[tilespmem:s15+$0x110] =	vst v19;
	v33 =	vmul.f32 $8.000000000e+00, v33;
	v39 =	vadd.f32 v22, v11  }
0xb7: {  	v34 =	vld.idx.msk [tilespmem:v59+s24+$0x0], $0xffff;
	v22 =	vadd.s32 v3, v17;
	v17 =	vor.u32 s3, v27;
	[tilespmem:s15+$0x10] =	vst v21;
	v21 =	vadd.f32 v35, v8  }
0xb8: {  	v63 =	vadd.s32 s0, v22;
	v26 =	vld.idx.msk [tilespmem:v26+s24+$0x0], $0xffff;
	[tilespmem:s15+$0x90] =	vst v39;
	v19 =	vmul.f32 $8.000000000e+00, v30  }
0xb9: {  	v33 =	vadd.f32 v33, v13;
	v61 =	vld.idx.msk [tilespmem:v31+s24+$0x0], $0xffff;
	v30 =	vadd.s32 s14, v22;
	[tilespmem:s15+$0xFFFFFE10] =	vst v21;
	v21 =	vmul.f32 $8.000000000e+00, v32  }
0xba: {  	s7 =	simm.s32 $0xA;
	v62 =	vadd.s32 s16, v22;
	v31 =	vld.idx.msk [tilespmem:v60+s24+$0x0], $0xffff;
	v19 =	vadd.f32 v19, v16  }
0xbb: {  	v40 =	vor.u32 s7, v27;
	[tilespmem:s15+$0xFFFFFF20] =	vst v33;
	v38 =	vld.idx.msk [tilespmem:v38+s24+$0x0], $0xffff;
	v21 =	vadd.f32 v21, v15  }
0xbc: {  	v36 =	vmul.f32 $8.000000000e+00, v36;
	v44 =	vadd.s32 s31, v22;
	v17 =	vld.idx.msk [tilespmem:v17+s10+$0x0], $0xffff;
	[tilespmem:s15+$0x1A0] =	vst v19  }
0xbd: {  	v45 =	vadd.s32 s29, v22;
	v47 =	vld.idx.msk [tilespmem:v63+s24+$0x0], $0xffff;
	[tilespmem:s15+$0xFFFFFEA0] =	vst v21;
	v21 =	vmul.f32 $8.000000000e+00, v26  }
0xbe: {  	s8 =	simm.s32 $0xB;
	v46 =	vadd.s32 s30, v22;
	v19 =	vadd.f32 v36, v14;
	v30 =	vld.idx.msk [tilespmem:v30+s24+$0x0], $0xffff;
	v26 =	vmul.f32 $8.000000000e+00, v61  }
0xbf: {  	v49 =	vor.u32 s8, v27;
	v34 =	vmul.f32 $8.000000000e+00, v34;
	v32 =	vld.idx.msk [tilespmem:v62+s24+$0x0], $0xffff;
	v21 =	vadd.f32 v21, v10  }
0xc0: {  	v48 =	vadd.s32 s26, v22;
	[tilespmem:s15+$0xFFFFFFA0] =	vst v19;
	v38 =	vmul.f32 $8.000000000e+00, v38;
	v19 =	vld.idx.msk [tilespmem:v40+s10+$0x0], $0xffff;
	v42 =	vadd.f32 v26, v11  }
0xc1: {  	s9 =	simm.s32 $0xC;
	v41 =	vadd.s32 s25, v22;
	v37 =	vld.idx.msk [tilespmem:v44+s24+$0x0], $0xffff;
	[tilespmem:s15+$0x20] =	vst v21;
	v21 =	vadd.f32 v34, v9  }
0xc2: {  	v50 =	vor.u32 s9, v27;
	v26 =	vadd.s32 v4, v20;
	v20 =	vadd.f32 v38, v8;
	v36 =	vld.idx.msk [tilespmem:v45+s24+$0x0], $0xffff;
	[tilespmem:s15+$0xA0] =	vst v42  }
0xc3: {  	v35 =	vmul.f32 $8.000000000e+00, v47;
	v52 =	vadd.s32 s0, v26;
	v33 =	vld.idx.msk [tilespmem:v46+s24+$0x0], $0xffff;
	[tilespmem:s15+$0x120] =	vst v21  }
0xc4: {  	v21 =	vmul.f32 $8.000000000e+00, v30;
	v30 =	vadd.s32 s14, v26;
	[tilespmem:s15+$0xFFFFFE20] =	vst v20;
	v20 =	vld.idx.msk [tilespmem:v49+s10+$0x0], $0xffff  }
0xc5: {  	v51 =	vadd.s32 s16, v26;
	v32 =	vmul.f32 $8.000000000e+00, v32;
	v35 =	vadd.f32 v35, v13;
	v39 =	vld.idx.msk [tilespmem:v48+s24+$0x0], $0xffff  }
0xc6: {  	v45 =	vadd.s32 s3, v29;
	v41 =	vld.idx.msk [tilespmem:v41+s24+$0x0], $0xffff;
	v43 =	vadd.f32 v21, v16  }
0xc7: {  	s19 =	simm.s32 $0xD;
	v53 =	vadd.s32 s31, v26;
	v32 =	vadd.f32 v32, v15;
	v37 =	vmul.f32 $8.000000000e+00, v37;
	v21 =	vld.idx.msk [tilespmem:v50+s10+$0x0], $0xffff;
	[tilespmem:s15+$0xFFFFFF30] =	vst v35  }
0xc8: {  	v54 =	vor.u32 s19, v27;
	v35 =	vld.idx.msk [tilespmem:v52+s24+$0x0], $0xffff;
	[tilespmem:s15+$0x1B0] =	vst v43  }
0xc9: {  	v63 =	vadd.s32 s7, v29;
	[tilespmem:s15+$0xFFFFFEB0] =	vst v32;
	v55 =	vadd.f32 v37, v14;
	v36 =	vmul.f32 $8.000000000e+00, v36;
	v43 =	vld.idx.msk [tilespmem:v30+s24+$0x0], $0xffff  }
0xca: {  	v56 =	vadd.s32 s29, v26;
	v38 =	vld.idx.msk [tilespmem:v51+s24+$0x0], $0xffff  }
0xcb: {  	v57 =	vadd.s32 s30, v26;
	v30 =	vmul.f32 $8.000000000e+00, v33;
	[tilespmem:s15+$0xFFFFFFB0] =	vst v55;
	v58 =	vadd.f32 v36, v10;
	v36 =	vld.idx.msk [tilespmem:v45+s24+$0x0], $0xffff  }
0xcc: {  	v23 =	vadd.s32 v5, v23;
	v60 =	vadd.s32 s26, v26;
	v59 =	vmul.f32 $8.000000000e+00, v39;
	v40 =	vld.idx.msk [tilespmem:v53+s24+$0x0], $0xffff  }
0xcd: {  	v61 =	vadd.s32 s25, v26;
	v41 =	vmul.f32 $8.000000000e+00, v41;
	v44 =	vadd.f32 v30, v11;
	v30 =	vld.idx.msk [tilespmem:v54+s10+$0x0], $0xffff  }
0xce: {  	v46 =	vadd.s32 s0, v23;
	[tilespmem:s15+$0x30] =	vst v58;
	v62 =	vadd.f32 v59, v9;
	v51 =	vmul.f32 $8.000000000e+00, v35;
	v35 =	vld.idx.msk [tilespmem:v63+s24+$0x0], $0xffff  }
0xcf: {  	v49 =	vadd.s32 s14, v23;
	v47 =	vadd.f32 v41, v8;
	v37 =	vld.idx.msk [tilespmem:v56+s24+$0x0], $0xffff;
	[tilespmem:s15+$0xB0] =	vst v44;
	v48 =	vmul.f32 $8.000000000e+00, v43  }
0xd0: {  	v50 =	vadd.s32 s16, v23;
	v33 =	vld.idx.msk [tilespmem:v57+s24+$0x0], $0xffff;
	[tilespmem:s15+$0x130] =	vst v62;
	v38 =	vmul.f32 $8.000000000e+00, v38;
	v44 =	vadd.f32 v51, v13  }
0xd1: {  	v53 =	vadd.s32 s8, v29;
	[tilespmem:s15+$0xFFFFFE30] =	vst v47;
	v39 =	vld.idx.msk [tilespmem:v60+s24+$0x0], $0xffff;
	v32 =	vadd.f32 v48, v16  }
0xd2: {  	v52 =	vadd.s32 s31, v23;
	v42 =	vld.idx.msk [tilespmem:v61+s24+$0x0], $0xffff;
	v38 =	vadd.f32 v38, v15;
	v40 =	vmul.f32 $8.000000000e+00, v40;
	[tilespmem:s15+$0xFFFFFF40] =	vst v44  }
0xd3: {  	v63 =	vadd.s32 s9, v29;
	v46 =	vld.idx.msk [tilespmem:v46+s24+$0x0], $0xffff;
	[tilespmem:s15+$0x1C0] =	vst v32  }
0xd4: {  	v55 =	vadd.s32 s29, v23;
	[tilespmem:s15+$0xFFFFFEC0] =	vst v38;
	v54 =	vadd.f32 v40, v14;
	v37 =	vmul.f32 $8.000000000e+00, v37;
	v58 =	vld.idx.msk [tilespmem:v49+s24+$0x0], $0xffff  }
0xd5: {  	v24 =	vadd.s32 v6, v24;
	v60 =	vadd.s32 s30, v23;
	v59 =	vld.idx.msk [tilespmem:v50+s24+$0x0], $0xffff;
	v33 =	vmul.f32 $8.000000000e+00, v33  }
0xd6: {  	v62 =	vadd.s32 s26, v23;
	[tilespmem:s15+$0xFFFFFFC0] =	vst v54;
	v61 =	vadd.f32 v37, v10;
	v39 =	vmul.f32 $8.000000000e+00, v39;
	v37 =	vld.idx.msk [tilespmem:v53+s24+$0x0], $0xffff  }
0xd7: {  	v47 =	vadd.s32 s25, v23;
	v42 =	vmul.f32 $8.000000000e+00, v42;
	v48 =	vld.idx.msk [tilespmem:v52+s24+$0x0], $0xffff;
	v33 =	vadd.f32 v33, v11  }
0xd8: {  	v18 =	vadd.s32 v7, v18;
	v49 =	vadd.s32 s19, v29;
	[tilespmem:s15+$0x40] =	vst v61;
	v56 =	vadd.f32 v39, v9;
	v39 =	vld.idx.msk [tilespmem:v63+s24+$0x0], $0xffff  }
0xd9: {  	v52 =	vadd.s32 s14, v24;
	v57 =	vadd.f32 v42, v8;
	v50 =	vld.idx.msk [tilespmem:v55+s24+$0x0], $0xffff;
	[tilespmem:s15+$0xC0] =	vst v33;
	v58 =	vmul.f32 $8.000000000e+00, v58  }
0xda: {  	v34 =	vadd.s32 s16, v18;
	v51 =	vld.idx.msk [tilespmem:v60+s24+$0x0], $0xffff;
	[tilespmem:s15+$0x140] =	vst v56;
	v59 =	vmul.f32 $8.000000000e+00, v59;
	v60 =	vadd.s32 s16, v24  }
0xdb: {  	v43 =	vadd.s32 s0, v24;
	v61 =	vmul.f32 $8.000000000e+00, v46;
	[tilespmem:s15+$0xFFFFFE40] =	vst v57;
	v45 =	vld.idx.msk [tilespmem:v62+s24+$0x0], $0xffff;
	v62 =	vadd.f32 v58, v16  }
0xdc: {  	s11 =	simm.s32 $0xE;
	v42 =	vadd.s32 s31, v24;
	v44 =	vld.idx.msk [tilespmem:v47+s24+$0x0], $0xffff;
	v63 =	vadd.f32 v59, v15;
	v48 =	vmul.f32 $8.000000000e+00, v48  }
0xdd: {  	v41 =	vadd.s32 s30, v24;
	v46 =	vadd.s32 s11, v29;
	v38 =	vld.idx.msk [tilespmem:v49+s24+$0x0], $0xffff;
	v53 =	vadd.f32 v61, v13;
	[tilespmem:s15+$0x1D0] =	vst v62  }
0xde: {  	s21 =	sshll.u32 s23, $0xD;
	s20 =	simm.s32 $0x10;
	v40 =	vadd.s32 s29, v24;
	[tilespmem:s15+$0xFFFFFED0] =	vst v63;
	v49 =	vadd.f32 v48, v14;
	v50 =	vmul.f32 $8.000000000e+00, v50;
	v48 =	vld.idx.msk [tilespmem:v52+s24+$0x0], $0xffff  }
0xdf: {  	s13 =	sor.u32 $0xCC00, s21;
	s21 =	simm.s32 $0xF;
	v32 =	vadd.s32 s25, v24;
	v33 =	vadd.s32 s28, v28;
	s16 =	smov.u32 s15;
	[tilespmem:s15+$0xFFFFFF50] =	vst v53;
	v47 =	vld.idx.msk [tilespmem:v60+s24+$0x0], $0xffff;
	v51 =	vmul.f32 $8.000000000e+00, v51  }
.LBB2_8:
0xe0: {  	p1 =	slt.u32 s20, $0x38;
	v52 =	vadd.s32 s21, v29;
	v43 =	vld.idx.msk [tilespmem:v43+s24+$0x0], $0xffff;
	[tilespmem:s15+$0xFFFFFFD0] =	vst v49;
	v49 =	vadd.f32 v50, v10;
	v45 =	vmul.f32 $8.000000000e+00, v45  }
0xe1: {  	v44 =	vmul.f32 $8.000000000e+00, v44;
	v42 =	vld.idx.msk [tilespmem:v42+s24+$0x0], $0xffff;
	v50 =	vadd.f32 v51, v11;
	v51 =	vadd.s32 s26, v24  }
0xe2: {  	v53 =	vor.u32 s21, v27;
	v54 =	vadd.s32 s0, v18;
	s0 =	smov.u32 s7;
	v46 =	vld.idx.msk [tilespmem:v46+s24+$0x0], $0xffff;
	[tilespmem:s15+$0x50] =	vst v49;
	v45 =	vadd.f32 v45, v9  }
0xe3: {  	v55 =	vadd.s32 s29, v18;
	s29 =	smov.u32 s9;
	v44 =	vadd.f32 v44, v8;
	v49 =	vadd.s32 s31, v18;
	s31 =	smov.u32 s8;
	v40 =	vld.idx.msk [tilespmem:v40+s24+$0x0], $0xffff;
	[tilespmem:s15+$0xD0] =	vst v50  }
0xe4: {  	v50 =	vadd.s32 s30, v18;
	s30 =	smov.u32 s19;
	v41 =	vld.idx.msk [tilespmem:v41+s24+$0x0], $0xffff;
	[tilespmem:s15+$0x150] =	vst v45;
	v45 =	vmul.f32 $8.000000000e+00, v48;
	v48 =	vadd.s32 s14, v18;
	s14 =	smov.u32 s21  }
0xe5: {  	v56 =	vadd.s32 s3, v28;
	v52 =	vld.idx.msk [tilespmem:v52+s24+$0x0], $0xffff;
	[tilespmem:s15+$0xFFFFFE50] =	vst v44;
	v44 =	vmul.f32 $8.000000000e+00, v47;
	v47 =	vadd.s32 s26, v18;
	s26 =	smov.u32 s11  }
0xe6: {  	v57 =	vadd.s32 s0, v28;
	v43 =	vmul.f32 $8.000000000e+00, v43;
	v51 =	vld.idx.msk [tilespmem:v51+s24+$0x0], $0xffff;
	v45 =	vadd.f32 v45, v16  }
0xe7: {  	v58 =	vadd.s32 s31, v28;
	v42 =	vmul.f32 $8.000000000e+00, v42;
	v53 =	vld.idx.msk [tilespmem:v53+s10+$0x0], $0xffff;
	v44 =	vadd.f32 v44, v15  }
0xe8: {  	v59 =	vadd.s32 s29, v28;
	v60 =	vor.u32 s26, v27;
	v61 =	vld.idx.msk [tilespmem:v32+s24+$0x0], $0xffff;
	v32 =	vadd.f32 v43, v13;
	[tilespmem:s15+$0x1E0] =	vst v45  }
0xe9: {  	v43 =	vadd.s32 s30, v28;
	v42 =	vadd.f32 v42, v14;
	v40 =	vmul.f32 $8.000000000e+00, v40;
	[tilespmem:s15+$0xFFFFFEE0] =	vst v44;
	v44 =	vld.idx.msk [tilespmem:v48+s24+$0x0], $0xffff  }
0xea: {  	v36 =	vmul.f32 $8.000000000e+00, v36;
	v45 =	vadd.s32 s26, v28;
	v34 =	vld.idx.msk [tilespmem:v34+s24+$0x0], $0xffff;
	[tilespmem:s15+$0xFFFFFF60] =	vst v32;
	v32 =	vmul.f32 $8.000000000e+00, v41  }
0xeb: {  	v48 =	vadd.s32 s14, v28;
	v41 =	vmul.f32 $8.000000000e+00, v52;
	v40 =	vadd.f32 v40, v10;
	v52 =	vld.idx.msk [tilespmem:v54+s24+$0x0], $0xffff;
	[tilespmem:s15+$0xFFFFFFE0] =	vst v42  }
0xec: {  	v35 =	vmul.f32 $8.000000000e+00, v35;
	v51 =	vmul.f32 $8.000000000e+00, v51;
	v42 =	vld.idx.msk [tilespmem:v49+s24+$0x0], $0xffff;
	v49 =	vadd.f32 v32, v11  }
0xed: {  	v37 =	vmul.f32 $8.000000000e+00, v37;
	v39 =	vmul.f32 $8.000000000e+00, v39;
	v41 =	vadd.f32 v41, v53;
	v32 =	vld.idx.msk [tilespmem:v60+s10+$0x0], $0xffff;
	[tilespmem:s15+$0x60] =	vst v40  }
0xee: {  	v36 =	vadd.f32 v36, v17;
	v40 =	vmul.f32 $8.000000000e+00, v61;
	s15 =	sadd.s32 $0x400, s15;
	v54 =	vld.idx.msk [tilespmem:v55+s24+$0x0], $0xffff;
	[tilespmem:s16+$0xE0] =	vst v49;
	v49 =	vadd.f32 v51, v9  }
0xef: {  	v35 =	vadd.f32 v35, v19;
	v38 =	vmul.f32 $8.000000000e+00, v38;
	v44 =	vmul.f32 $8.000000000e+00, v44;
	[tilespmem:s15+$0x180] =	vst v41;
	v41 =	vld.idx.msk [tilespmem:v50+s24+$0x0], $0xffff  }
0xf0: {  	v40 =	vadd.f32 v40, v8;
	v34 =	vmul.f32 $8.000000000e+00, v34;
	[tilespmem:s15+$0xFFFFFE80] =	vst v36;
	v36 =	vadd.f32 v37, v20;
	v37 =	vld.idx.msk [tilespmem:v48+s24+$0x0], $0xffff  }
0xf1: {  	v44 =	vadd.f32 v44, v16;
	v16 =	vmovc v53;
	v48 =	vld.idx.msk [tilespmem:v56+s24+$0x0], $0xffff;
	[tilespmem:s15+$0xFFFFFF00] =	vst v35;
	v35 =	vmul.f32 $8.000000000e+00, v46;
	v46 =	vmul.f32 $8.000000000e+00, v52  }
0xf2: {  	v34 =	vadd.f32 v34, v15;
	v51 =	vmul.f32 $8.000000000e+00, v42;
	v50 =	vld.idx.msk [tilespmem:v57+s24+$0x0], $0xffff;
	[tilespmem:s15+$0xFFFFFF80] =	vst v36;
	v36 =	vadd.f32 v39, v21  }
0xf3: {  	v31 =	vmul.f32 $8.000000000e+00, v31;
	v38 =	vadd.f32 v38, v30;
	v39 =	vld.idx.msk [tilespmem:v58+s24+$0x0], $0xffff;
	v42 =	vadd.f32 v46, v13;
	[tilespmem:s16+$0x1F0] =	vst v44  }
0xf4: {  	v15 =	vmovc v17;
	v35 =	vadd.f32 v35, v32;
	v44 =	vmul.f32 $8.000000000e+00, v54;
	[tilespmem:s15+$0x0] =	vst v36;
	v36 =	vadd.f32 v51, v14  }
0xf5: {  	v17 =	vadd.f32 v31, v12;
	v13 =	vmovc v19;
	v41 =	vmul.f32 $8.000000000e+00, v41;
	v31 =	vld.idx.msk [tilespmem:v59+s24+$0x0], $0xffff;
	[tilespmem:s15+$0x80] =	vst v38;
	v38 =	vadd.s32 s25, v18;
	s25 =	smov.u32 s28;
	s28 =	smov.u32 s20  }
0xf6: {  	v14 =	vmovc v20;
	v19 =	vld.idx.msk [tilespmem:v43+s24+$0x0], $0xffff;
	[tilespmem:s15+$0x100] =	vst v35;
	v35 =	vmul.f32 $8.000000000e+00, v37;
	v37 =	vadd.s32 s14, v25;
	v43 =	vadd.f32 v44, v10  }
0xf7: {  	v44 =	vadd.s32 s3, v25;
	v20 =	vadd.f32 v41, v11;
	v10 =	vmovc v21;
	[tilespmem:s15+$0xFFFFFE00] =	vst v17;
	v17 =	vmul.f32 $8.000000000e+00, v48;
	v45 =	vld.idx.msk [tilespmem:v45+s24+$0x0], $0xffff  }
0xf8: {  	v41 =	vadd.s32 s0, v25;
	v11 =	vmovc v30;
	v21 =	vld.idx.msk [tilespmem:v33+s24+$0x0], $0xffff;
	v33 =	vmul.f32 $8.000000000e+00, v50;
	v35 =	vadd.f32 v35, v16;
	[tilespmem:s16+$0x160] =	vst v49  }
0xf9: {  	v30 =	vmul.f32 $8.000000000e+00, v39;
	v39 =	vadd.s32 s31, v25;
	v17 =	vadd.f32 v17, v15;
	[tilespmem:s16+$0xFFFFFE60] =	vst v40;
	v40 =	vld.idx.msk [tilespmem:v47+s24+$0x0], $0xffff  }
0xfa: {  	v46 =	vor.u32 s20, v27;
	v33 =	vadd.f32 v33, v13;
	[tilespmem:s15+$0x190] =	vst v35;
	v35 =	vld.idx.msk [tilespmem:v38+s24+$0x0], $0xffff  }
0xfb: {  	[tilespmem:s15+$0xFFFFFE90] =	vst v17;
	v17 =	vadd.f32 v30, v14;
	v30 =	vmul.f32 $8.000000000e+00, v31;
	v31 =	vadd.s32 s29, v25;
	v37 =	vld.idx.msk [tilespmem:v37+s24+$0x0], $0xffff  }
0xfc: {  	v19 =	vmul.f32 $8.000000000e+00, v19;
	v38 =	vld.idx.msk [tilespmem:v44+s24+$0x0], $0xffff;
	[tilespmem:s15+$0xFFFFFF10] =	vst v33;
	v33 =	vadd.s32 s30, v25  }
0xfd: {  	v44 =	vadd.s32 s26, v25;
	v41 =	vld.idx.msk [tilespmem:v41+s24+$0x0], $0xffff;
	[tilespmem:s15+$0xFFFFFF90] =	vst v17;
	v17 =	vadd.f32 v30, v10;
	v30 =	vmul.f32 $8.000000000e+00, v45  }
0xfe: {  	v21 =	vmul.f32 $8.000000000e+00, v21;
	v45 =	vadd.s32 s25, v25;
	v19 =	vadd.f32 v19, v11;
	v39 =	vld.idx.msk [tilespmem:v39+s24+$0x0], $0xffff;
	[tilespmem:s16+$0xFFFFFEF0] =	vst v34  }
0xff: {  	s1 =	sadd.s32 $0x1, s20;
	v34 =	vld.idx.msk [tilespmem:v46+s10+$0x0], $0xffff;
	v46 =	vadd.s32 s20, v29;
	[tilespmem:s15+$0x10] =	vst v17;
	v17 =	vadd.f32 v30, v32;
	v30 =	vmul.f32 $8.000000000e+00, v40  }
0x100: {  	v40 =	vor.u32 s1, v27;
	v21 =	vadd.f32 v21, v12;
	v47 =	vld.idx.msk [tilespmem:v31+s24+$0x0], $0xffff;
	[tilespmem:s15+$0x90] =	vst v19;
	v19 =	vmul.f32 $8.000000000e+00, v35  }
0x101: {  	v35 =	vadd.s32 s14, v22;
	v33 =	vld.idx.msk [tilespmem:v33+s24+$0x0], $0xffff;
	[tilespmem:s15+$0x110] =	vst v17;
	v17 =	vmul.f32 $8.000000000e+00, v37;
	v30 =	vadd.f32 v30, v9;
	v9 =	vmovc v32  }
0x102: {  	v32 =	vadd.s32 s3, v22;
	[tilespmem:s15+$0xFFFFFE10] =	vst v21;
	v21 =	vmul.f32 $8.000000000e+00, v38;
	v37 =	vld.idx.msk [tilespmem:v44+s24+$0x0], $0xffff;
	v38 =	vadd.f32 v19, v8;
	v8 =	vmovc v12  }
0x103: {  	v19 =	vld.idx.msk [tilespmem:v45+s24+$0x0], $0xffff;
	v45 =	vmul.f32 $8.000000000e+00, v41;
	v41 =	vadd.s32 s0, v22;
	v44 =	vadd.f32 v17, v16;
	[tilespmem:s16+$0xFFFFFF70] =	vst v42  }
0x104: {  	s7 =	sadd.s32 $0x2, s20;
	v39 =	vmul.f32 $8.000000000e+00, v39;
	v42 =	vadd.s32 s31, v22;
	v31 =	vld.idx.msk [tilespmem:v46+s24+$0x0], $0xffff;
	v21 =	vadd.f32 v21, v15;
	[tilespmem:s16+$0xFFFFFFF0] =	vst v36  }
0x105: {  	v36 =	vor.u32 s7, v27;
	v12 =	vmov v34;
	v17 =	vld.idx.msk [tilespmem:v40+s10+$0x0], $0xffff;
	v40 =	vadd.f32 v45, v13;
	[tilespmem:s15+$0x1A0] =	vst v44  }
0x106: {  	v34 =	vmul.f32 $8.000000000e+00, v47;
	[tilespmem:s15+$0xFFFFFEA0] =	vst v21;
	v21 =	vadd.f32 v39, v14;
	v39 =	vadd.s32 s29, v22;
	v35 =	vld.idx.msk [tilespmem:v35+s24+$0x0], $0xffff  }
0x107: {  	v33 =	vmul.f32 $8.000000000e+00, v33;
	v32 =	vld.idx.msk [tilespmem:v32+s24+$0x0], $0xffff;
	[tilespmem:s15+$0xFFFFFF20] =	vst v40;
	v40 =	vadd.s32 s30, v22  }
0x108: {  	v41 =	vld.idx.msk [tilespmem:v41+s24+$0x0], $0xffff;
	[tilespmem:s15+$0xFFFFFFA0] =	vst v21;
	v21 =	vadd.f32 v34, v10;
	v34 =	vmul.f32 $8.000000000e+00, v37;
	v37 =	vadd.s32 s26, v22  }
0x109: {  	s8 =	sadd.s32 $0x3, s20;
	v45 =	vadd.s32 s25, v22;
	v44 =	vmul.f32 $8.000000000e+00, v19;
	v33 =	vadd.f32 v33, v11;
	v42 =	vld.idx.msk [tilespmem:v42+s24+$0x0], $0xffff;
	[tilespmem:s16+$0x70] =	vst v43  }
0x10a: {  	s9 =	sadd.s32 $0x4, s20;
	v19 =	vld.idx.msk [tilespmem:v36+s10+$0x0], $0xffff;
	v36 =	vor.u32 s8, v27;
	[tilespmem:s15+$0x20] =	vst v21;
	v21 =	vadd.f32 v34, v9  }
0x10b: {  	v34 =	vor.u32 s9, v27;
	v43 =	vadd.f32 v44, v8;
	v39 =	vld.idx.msk [tilespmem:v39+s24+$0x0], $0xffff;
	[tilespmem:s15+$0xA0] =	vst v33  }
0x10c: {  	v33 =	vld.idx.msk [tilespmem:v40+s24+$0x0], $0xffff;
	[tilespmem:s15+$0x120] =	vst v21;
	v21 =	vmul.f32 $8.000000000e+00, v35;
	v35 =	vadd.s32 s14, v26  }
0x10d: {  	v32 =	vmul.f32 $8.000000000e+00, v32;
	v40 =	vadd.s32 s3, v26;
	[tilespmem:s15+$0xFFFFFE20] =	vst v43;
	v37 =	vld.idx.msk [tilespmem:v37+s24+$0x0], $0xffff  }
0x10e: {  	v44 =	vadd.s32 s0, v26;
	v41 =	vmul.f32 $8.000000000e+00, v41;
	v43 =	vld.idx.msk [tilespmem:v45+s24+$0x0], $0xffff;
	v45 =	vadd.f32 v21, v16;
	[tilespmem:s16+$0xF0] =	vst v20  }
0x10f: {  	s19 =	sadd.s32 $0x5, s20;
	v32 =	vadd.f32 v32, v15;
	v20 =	vld.idx.msk [tilespmem:v36+s10+$0x0], $0xffff;
	v36 =	vmul.f32 $8.000000000e+00, v42;
	v42 =	vadd.s32 s31, v26;
	[tilespmem:s16+$0x170] =	vst v30  }
0x110: {  	v30 =	vor.u32 s19, v27;
	v21 =	vld.idx.msk [tilespmem:v34+s10+$0x0], $0xffff;
	v34 =	vadd.f32 v41, v13;
	[tilespmem:s15+$0x1B0] =	vst v45  }
0x111: {  	[tilespmem:s15+$0xFFFFFEB0] =	vst v32;
	v32 =	vadd.f32 v36, v14;
	v36 =	vmul.f32 $8.000000000e+00, v39;
	v39 =	vadd.s32 s29, v26;
	v35 =	vld.idx.msk [tilespmem:v35+s24+$0x0], $0xffff  }
0x112: {  	v33 =	vmul.f32 $8.000000000e+00, v33;
	v40 =	vld.idx.msk [tilespmem:v40+s24+$0x0], $0xffff;
	[tilespmem:s15+$0xFFFFFF30] =	vst v34;
	v34 =	vadd.s32 s30, v26  }
0x113: {  	v41 =	vld.idx.msk [tilespmem:v44+s24+$0x0], $0xffff;
	[tilespmem:s15+$0xFFFFFFB0] =	vst v32;
	v32 =	vadd.f32 v36, v10;
	v36 =	vmul.f32 $8.000000000e+00, v37;
	v37 =	vadd.s32 s26, v26  }
0x114: {  	v43 =	vmul.f32 $8.000000000e+00, v43;
	v44 =	vadd.s32 s25, v26;
	v33 =	vadd.f32 v33, v11;
	v42 =	vld.idx.msk [tilespmem:v42+s24+$0x0], $0xffff;
	[tilespmem:s16+$0xFFFFFE70] =	vst v38;
	s16 =	smov.u32 s15  }
0x115: {  	v38 =	vadd.s32 s1, v29;
	v30 =	vld.idx.msk [tilespmem:v30+s10+$0x0], $0xffff;
	[tilespmem:s15+$0x30] =	vst v32;
	v32 =	vadd.f32 v36, v9  }
0x116: {  	v45 =	vadd.s32 s7, v29;
	v36 =	vadd.f32 v43, v8;
	v39 =	vld.idx.msk [tilespmem:v39+s24+$0x0], $0xffff;
	[tilespmem:s15+$0xB0] =	vst v33  }
0x117: {  	v33 =	vld.idx.msk [tilespmem:v34+s24+$0x0], $0xffff;
	[tilespmem:s15+$0x130] =	vst v32;
	v32 =	vmul.f32 $8.000000000e+00, v35;
	v34 =	vadd.s32 s14, v23  }
0x118: {  	v35 =	vmul.f32 $8.000000000e+00, v40;
	v40 =	vadd.s32 s3, v23;
	[tilespmem:s15+$0xFFFFFE30] =	vst v36;
	v37 =	vld.idx.msk [tilespmem:v37+s24+$0x0], $0xffff  }
0x119: {  	v41 =	vmul.f32 $8.000000000e+00, v41;
	v43 =	vld.idx.msk [tilespmem:v44+s24+$0x0], $0xffff;
	v44 =	vadd.s32 s0, v23;
	v32 =	vadd.f32 v32, v16  }
0x11a: {  	v46 =	vadd.s32 s31, v23;
	v42 =	vmul.f32 $8.000000000e+00, v42;
	v36 =	vld.idx.msk [tilespmem:v38+s24+$0x0], $0xffff;
	v38 =	vadd.f32 v35, v15  }
0x11b: {  	v41 =	vadd.f32 v41, v13;
	v35 =	vld.idx.msk [tilespmem:v45+s24+$0x0], $0xffff;
	v45 =	vadd.s32 s8, v29;
	[tilespmem:s15+$0x1C0] =	vst v32  }
0x11c: {  	v32 =	vadd.f32 v42, v14;
	[tilespmem:s15+$0xFFFFFEC0] =	vst v38;
	v38 =	vmul.f32 $8.000000000e+00, v39;
	v39 =	vadd.s32 s29, v23;
	v34 =	vld.idx.msk [tilespmem:v34+s24+$0x0], $0xffff  }
0x11d: {  	v33 =	vmul.f32 $8.000000000e+00, v33;
	v40 =	vld.idx.msk [tilespmem:v40+s24+$0x0], $0xffff;
	[tilespmem:s15+$0xFFFFFF40] =	vst v41;
	v41 =	vadd.s32 s30, v23  }
0x11e: {  	v42 =	vld.idx.msk [tilespmem:v44+s24+$0x0], $0xffff;
	[tilespmem:s15+$0xFFFFFFC0] =	vst v32;
	v32 =	vadd.f32 v38, v10;
	v38 =	vmul.f32 $8.000000000e+00, v37;
	v44 =	vadd.s32 s26, v23  }
0x11f: {  	v47 =	vadd.s32 s25, v23;
	v43 =	vmul.f32 $8.000000000e+00, v43;
	v33 =	vadd.f32 v33, v11;
	v46 =	vld.idx.msk [tilespmem:v46+s24+$0x0], $0xffff  }
0x120: {  	v48 =	vadd.s32 s9, v29;
	v37 =	vld.idx.msk [tilespmem:v45+s24+$0x0], $0xffff;
	[tilespmem:s15+$0x40] =	vst v32;
	v32 =	vadd.f32 v38, v9  }
0x121: {  	v38 =	vadd.s32 s19, v29;
	v43 =	vadd.f32 v43, v8;
	v50 =	vld.idx.msk [tilespmem:v39+s24+$0x0], $0xffff;
	[tilespmem:s15+$0xC0] =	vst v33  }
0x122: {  	v33 =	vmul.f32 $8.000000000e+00, v34;
	v34 =	vadd.s32 s14, v24;
	v41 =	vld.idx.msk [tilespmem:v41+s24+$0x0], $0xffff;
	[tilespmem:s15+$0x140] =	vst v32  }
0x123: {  	v51 =	vadd.s32 s3, v24;
	v32 =	vadd.s32 s25, v24;
	v40 =	vmul.f32 $8.000000000e+00, v40;
	[tilespmem:s15+$0xFFFFFE40] =	vst v43;
	v45 =	vld.idx.msk [tilespmem:v44+s24+$0x0], $0xffff  }
.Ltmp3:
0x124: {  	v43 =	vadd.s32 s0, v24;
	v49 =	vadd.f32 v33, v16;
	v44 =	vld.idx.msk [tilespmem:v47+s24+$0x0], $0xffff;
	v47 =	vmul.f32 $8.000000000e+00, v42;
	(pc) =	sbr.rel @p1 .LBB2_8-.Ltmp3, $4  }
0x125: {  	s11 =	sadd.s32 $0x6, s20;
	v40 =	vadd.f32 v40, v15;
	v42 =	vadd.s32 s31, v24;
	v39 =	vld.idx.msk [tilespmem:v48+s24+$0x0], $0xffff;
	v48 =	vmul.f32 $8.000000000e+00, v46  }
0x126: {  	v33 =	vadd.s32 s20, v28;
	v46 =	vadd.s32 s11, v29;
	v38 =	vld.idx.msk [tilespmem:v38+s24+$0x0], $0xffff;
	v52 =	vadd.f32 v47, v13;
	[tilespmem:s15+$0x1D0] =	vst v49  }
0x127: {  	v50 =	vmul.f32 $8.000000000e+00, v50;
	[tilespmem:s15+$0xFFFFFED0] =	vst v40;
	v49 =	vadd.f32 v48, v14;
	v40 =	vadd.s32 s29, v24;
	v48 =	vld.idx.msk [tilespmem:v34+s24+$0x0], $0xffff  }
0x128: {  	s21 =	sadd.s32 $0x7, s28;
	s20 =	sadd.s32 $0x8, s20;
	v34 =	vadd.s32 s3, v18;
	s3 =	smov.u32 s1;
	v47 =	vld.idx.msk [tilespmem:v51+s24+$0x0], $0xffff;
	[tilespmem:s15+$0xFFFFFF50] =	vst v52;
	v51 =	vmul.f32 $8.000000000e+00, v41;
	v41 =	vadd.s32 s30, v24  }
0x129: {  	v29 =	vadd.s32 s21, v29;
	_ =	sdelay $0x1  }
0x12a: {  	v52 =	vor.u32 s21, v27;
	_ =	sdelay $0x2  }
0x12b: {  	v53 =	vld.idx.msk [tilespmem:v29+s24+$0x0], $0xffff  }
0x12c: {  	v50 =	vadd.f32 v50, v10;
	v45 =	vmul.f32 $8.000000000e+00, v45  }
0x12d: {  	[tilespmem:s15+$0xFFFFFFD0] =	vst v49;
	v54 =	vor.u32 s11, v27;
	v36 =	vmul.f32 $8.000000000e+00, v36;
	v63 =	vadd.f32 v51, v11;
	v29 =	vld.idx.msk [tilespmem:v52+s10+$0x0], $0xffff  }
0x12e: {  	v58 =	vadd.s32 s3, v28;
	v35 =	vmul.f32 $8.000000000e+00, v35;
	[tilespmem:s15+$0x50] =	vst v50;
	v45 =	vadd.f32 v45, v9  }
0x12f: {  	v36 =	vadd.f32 v36, v17;
	v48 =	vmul.f32 $8.000000000e+00, v48;
	[tilespmem:s15+$0xD0] =	vst v63  }
0x130: {  	v57 =	vadd.s32 s21, v28;
	s20 =	sadd.s32 $0x400, s15;
	v35 =	vadd.f32 v35, v19;
	[tilespmem:s15+$0x150] =	vst v45;
	v56 =	vmul.f32 $8.000000000e+00, v53  }
0x131: {  	v46 =	vld.idx.msk [tilespmem:v46+s24+$0x0], $0xffff;
	v31 =	vmul.f32 $8.000000000e+00, v31;
	[tilespmem:s20+$0xFFFFFE80] =	vst v36;
	v55 =	vadd.f32 v48, v16  }
0x132: {  	v60 =	vadd.s32 s7, v28;
	v39 =	vmul.f32 $8.000000000e+00, v39;
	[tilespmem:s20+$0xFFFFFF00] =	vst v35;
	v27 =	vld.idx.msk [tilespmem:v54+s10+$0x0], $0xffff;
	v61 =	vadd.f32 v56, v29  }
0x133: {  	v62 =	vadd.s32 s8, v28;
	v37 =	vmul.f32 $8.000000000e+00, v37;
	v31 =	vadd.f32 v31, v12;
	[tilespmem:s15+$0x1E0] =	vst v55;
	v55 =	vld.idx.msk [tilespmem:v58+s24+$0x0], $0xffff  }
0x134: {  	v43 =	vld.idx.msk [tilespmem:v43+s24+$0x0], $0xffff;
	v38 =	vmul.f32 $8.000000000e+00, v38;
	v39 =	vadd.f32 v39, v21;
	v45 =	vadd.s32 s19, v28;
	[tilespmem:s20+$0x180] =	vst v61  }
0x135: {  	v63 =	vadd.s32 s9, v28;
	v47 =	vmul.f32 $8.000000000e+00, v47;
	[tilespmem:s20+$0xFFFFFE00] =	vst v31;
	v52 =	vadd.f32 v37, v20;
	v53 =	vld.idx.msk [tilespmem:v57+s24+$0x0], $0xffff  }
0x136: {  	v42 =	vld.idx.msk [tilespmem:v42+s24+$0x0], $0xffff;
	v54 =	vadd.s32 s11, v28;
	[tilespmem:s20+$0x0] =	vst v39;
	v58 =	vadd.f32 v38, v30;
	v56 =	vmul.f32 $8.000000000e+00, v46  }
0x137: {  	v44 =	vmul.f32 $8.000000000e+00, v44;
	v59 =	vadd.f32 v47, v15;
	[tilespmem:s20+$0xFFFFFF80] =	vst v52;
	v57 =	vld.idx.msk [tilespmem:v60+s24+$0x0], $0xffff  }
0x138: {  	[tilespmem:s20+$0x80] =	vst v58;
	v52 =	vmul.f32 $8.000000000e+00, v55;
	v35 =	vadd.f32 v56, v27;
	v60 =	vld.idx.msk [tilespmem:v62+s24+$0x0], $0xffff  }
0x139: {  	v44 =	vadd.f32 v44, v8;
	[tilespmem:s15+$0xFFFFFEE0] =	vst v59;
	v59 =	vmul.f32 $8.000000000e+00, v43;
	v48 =	vld.idx.msk [tilespmem:v45+s24+$0x0], $0xffff  }
0x13a: {  	v51 =	vadd.s32 s21, v25;
	v31 =	vadd.f32 v52, v17;
	v62 =	vld.idx.msk [tilespmem:v63+s24+$0x0], $0xffff;
	[tilespmem:s20+$0x100] =	vst v35;
	v50 =	vmul.f32 $8.000000000e+00, v53  }
0x13b: {  	[tilespmem:s15+$0xFFFFFE50] =	vst v44;
	v61 =	vmul.f32 $8.000000000e+00, v42;
	v63 =	vadd.f32 v59, v13;
	v28 =	vld.idx.msk [tilespmem:v54+s24+$0x0], $0xffff;
	v53 =	vadd.s32 s3, v25  }
0x13c: {  	v33 =	vld.idx.msk [tilespmem:v33+s24+$0x0], $0xffff;
	v55 =	vadd.s32 s7, v25;
	[tilespmem:s20+$0xFFFFFE90] =	vst v31;
	v54 =	vmul.f32 $8.000000000e+00, v57;
	v35 =	vadd.f32 v50, v29  }
0x13d: {  	v40 =	vld.idx.msk [tilespmem:v40+s24+$0x0], $0xffff;
	v39 =	vadd.f32 v61, v14;
	[tilespmem:s15+$0xFFFFFF60] =	vst v63;
	v56 =	vmul.f32 $8.000000000e+00, v60;
	v57 =	vadd.s32 s8, v25  }
0x13e: {  	v41 =	vld.idx.msk [tilespmem:v41+s24+$0x0], $0xffff;
	v38 =	vmul.f32 $8.000000000e+00, v48;
	v61 =	vadd.s32 s19, v25;
	v36 =	vadd.f32 v54, v19;
	[tilespmem:s20+$0x190] =	vst v35  }
0x13f: {  	v59 =	vadd.s32 s9, v25;
	[tilespmem:s15+$0xFFFFFFE0] =	vst v39;
	v58 =	vmul.f32 $8.000000000e+00, v62;
	v60 =	vadd.f32 v56, v20;
	v37 =	vld.idx.msk [tilespmem:v51+s24+$0x0], $0xffff  }
0x140: {  	v47 =	vadd.f32 v38, v30;
	v62 =	vadd.s32 s11, v25;
	v28 =	vmul.f32 $8.000000000e+00, v28;
	[tilespmem:s20+$0xFFFFFF10] =	vst v36;
	v44 =	vld.idx.msk [tilespmem:v53+s24+$0x0], $0xffff  }
0x141: {  	v46 =	vadd.s32 s28, v25;
	v63 =	vmul.f32 $8.000000000e+00, v33;
	v35 =	vadd.f32 v58, v21;
	[tilespmem:s20+$0xFFFFFF90] =	vst v60;
	v45 =	vld.idx.msk [tilespmem:v55+s24+$0x0], $0xffff  }
0x142: {  	v40 =	vmul.f32 $8.000000000e+00, v40;
	v48 =	vadd.s32 s14, v18;
	[tilespmem:s20+$0x90] =	vst v47;
	v28 =	vadd.f32 v28, v27;
	v43 =	vld.idx.msk [tilespmem:v57+s24+$0x0], $0xffff  }
0x143: {  	v49 =	vadd.s32 s26, v24;
	v41 =	vmul.f32 $8.000000000e+00, v41;
	v31 =	vadd.f32 v63, v12;
	v39 =	vld.idx.msk [tilespmem:v61+s24+$0x0], $0xffff;
	[tilespmem:s20+$0x10] =	vst v35  }
0x144: {  	v52 =	vadd.s32 s21, v22;
	v50 =	vadd.f32 v40, v10;
	[tilespmem:s20+$0x110] =	vst v28;
	v42 =	vld.idx.msk [tilespmem:v59+s24+$0x0], $0xffff;
	v51 =	vmul.f32 $8.000000000e+00, v37  }
0x145: {  	[tilespmem:s20+$0xFFFFFE10] =	vst v31;
	v53 =	vadd.f32 v41, v11;
	v55 =	vadd.s32 s3, v22;
	v36 =	vld.idx.msk [tilespmem:v62+s24+$0x0], $0xffff;
	v54 =	vmul.f32 $8.000000000e+00, v44  }
0x146: {  	v25 =	vld.idx.msk [tilespmem:v46+s24+$0x0], $0xffff;
	[tilespmem:s15+$0x60] =	vst v50;
	v57 =	vadd.s32 s7, v22;
	v56 =	vmul.f32 $8.000000000e+00, v45;
	v28 =	vadd.f32 v51, v29  }
0x147: {  	v38 =	vld.idx.msk [tilespmem:v48+s24+$0x0], $0xffff;
	[tilespmem:s16+$0xE0] =	vst v53;
	v59 =	vadd.s32 s8, v22;
	v58 =	vmul.f32 $8.000000000e+00, v43;
	v31 =	vadd.f32 v54, v17  }
0x148: {  	v63 =	vadd.s32 s19, v22;
	v35 =	vld.idx.msk [tilespmem:v49+s24+$0x0], $0xffff;
	v39 =	vmul.f32 $8.000000000e+00, v39;
	v33 =	vadd.f32 v56, v19;
	[tilespmem:s20+$0x1A0] =	vst v28  }
0x149: {  	v61 =	vadd.s32 s9, v22;
	v60 =	vmul.f32 $8.000000000e+00, v42;
	v62 =	vadd.f32 v58, v20;
	[tilespmem:s20+$0xFFFFFEA0] =	vst v31;
	v37 =	vld.idx.msk [tilespmem:v52+s24+$0x0], $0xffff  }
0x14a: {  	v49 =	vadd.s32 s11, v22;
	v48 =	vmul.f32 $8.000000000e+00, v36;
	v51 =	vadd.f32 v39, v30;
	[tilespmem:s20+$0xFFFFFF20] =	vst v33;
	v41 =	vld.idx.msk [tilespmem:v55+s24+$0x0], $0xffff  }
0x14b: {  	v50 =	vadd.s32 s28, v22;
	v25 =	vmul.f32 $8.000000000e+00, v25;
	v28 =	vadd.f32 v60, v21;
	[tilespmem:s20+$0xFFFFFFA0] =	vst v62;
	v44 =	vld.idx.msk [tilespmem:v57+s24+$0x0], $0xffff  }
0x14c: {  	v38 =	vmul.f32 $8.000000000e+00, v38;
	v53 =	vadd.f32 v48, v27;
	[tilespmem:s20+$0xA0] =	vst v51;
	v52 =	vld.idx.msk [tilespmem:v59+s24+$0x0], $0xffff  }
0x14d: {  	v25 =	vadd.f32 v25, v12;
	v54 =	vmul.f32 $8.000000000e+00, v35;
	v31 =	vld.idx.msk [tilespmem:v63+s24+$0x0], $0xffff;
	[tilespmem:s20+$0x20] =	vst v28  }
0x14e: {  	v56 =	vadd.f32 v38, v16;
	v58 =	vadd.s32 s21, v26;
	[tilespmem:s20+$0x120] =	vst v53;
	v55 =	vld.idx.msk [tilespmem:v61+s24+$0x0], $0xffff;
	v57 =	vmul.f32 $8.000000000e+00, v37  }
0x14f: {  	[tilespmem:s20+$0xFFFFFE20] =	vst v25;
	v33 =	vadd.f32 v54, v9;
	v60 =	vadd.s32 s3, v26;
	v36 =	vld.idx.msk [tilespmem:v49+s24+$0x0], $0xffff;
	v59 =	vmul.f32 $8.000000000e+00, v41  }
0x150: {  	[tilespmem:s16+$0x1F0] =	vst v56;
	v63 =	vadd.s32 s7, v26;
	v61 =	vld.idx.msk [tilespmem:v50+s24+$0x0], $0xffff;
	v62 =	vmul.f32 $8.000000000e+00, v44;
	v28 =	vadd.f32 v57, v29  }
0x151: {  	v34 =	vld.idx.msk [tilespmem:v34+s24+$0x0], $0xffff;
	[tilespmem:s16+$0x160] =	vst v33;
	v43 =	vmul.f32 $8.000000000e+00, v52;
	v44 =	vadd.s32 s8, v26;
	v25 =	vadd.f32 v59, v17  }
0x152: {  	v32 =	vld.idx.msk [tilespmem:v32+s24+$0x0], $0xffff;
	v49 =	vadd.s32 s19, v26;
	v31 =	vmul.f32 $8.000000000e+00, v31;
	v22 =	vadd.f32 v62, v19;
	[tilespmem:s20+$0x1B0] =	vst v28  }
0x153: {  	v46 =	vadd.s32 s9, v26;
	v45 =	vmul.f32 $8.000000000e+00, v55;
	v47 =	vadd.f32 v43, v20;
	[tilespmem:s20+$0xFFFFFEB0] =	vst v25;
	v48 =	vld.idx.msk [tilespmem:v58+s24+$0x0], $0xffff  }
0x154: {  	v52 =	vadd.s32 s11, v26;
	v51 =	vmul.f32 $8.000000000e+00, v36;
	v54 =	vadd.f32 v31, v30;
	[tilespmem:s20+$0xFFFFFF30] =	vst v22;
	v38 =	vld.idx.msk [tilespmem:v60+s24+$0x0], $0xffff  }
0x155: {  	v53 =	vadd.s32 s28, v26;
	v16 =	vmul.f32 $8.000000000e+00, v61;
	v50 =	vadd.f32 v45, v21;
	[tilespmem:s20+$0xFFFFFFB0] =	vst v47;
	v40 =	vld.idx.msk [tilespmem:v63+s24+$0x0], $0xffff  }
0x156: {  	v34 =	vmul.f32 $8.000000000e+00, v34;
	v55 =	vadd.s32 s0, v18;
	v56 =	vadd.f32 v51, v27;
	[tilespmem:s20+$0xB0] =	vst v54;
	v39 =	vld.idx.msk [tilespmem:v44+s24+$0x0], $0xffff  }
0x157: {  	v32 =	vmul.f32 $8.000000000e+00, v32;
	v57 =	vadd.s32 s31, v18;
	v16 =	vadd.f32 v16, v12;
	v59 =	vld.idx.msk [tilespmem:v49+s24+$0x0], $0xffff;
	[tilespmem:s20+$0x30] =	vst v50  }
0x158: {  	v61 =	vadd.s32 s21, v23;
	v62 =	vadd.f32 v34, v15;
	[tilespmem:s20+$0x130] =	vst v56;
	v35 =	vld.idx.msk [tilespmem:v46+s24+$0x0], $0xffff;
	v60 =	vmul.f32 $8.000000000e+00, v48  }
0x159: {  	v41 =	vadd.s32 s3, v23;
	v58 =	vadd.f32 v32, v8;
	[tilespmem:s20+$0xFFFFFE30] =	vst v16;
	v36 =	vld.idx.msk [tilespmem:v52+s24+$0x0], $0xffff;
	v63 =	vmul.f32 $8.000000000e+00, v38  }
0x15a: {  	v43 =	vadd.s32 s7, v23;
	[tilespmem:s16+$0xFFFFFEF0] =	vst v62;
	v25 =	vld.idx.msk [tilespmem:v53+s24+$0x0], $0xffff;
	v42 =	vmul.f32 $8.000000000e+00, v40;
	v22 =	vadd.f32 v60, v29  }
0x15b: {  	[tilespmem:s16+$0xFFFFFE60] =	vst v58;
	v31 =	vld.idx.msk [tilespmem:v55+s24+$0x0], $0xffff;
	v46 =	vadd.s32 s8, v23;
	v45 =	vmul.f32 $8.000000000e+00, v39;
	v44 =	vadd.f32 v63, v17  }
0x15c: {  	v51 =	vadd.s32 s19, v23;
	v28 =	vld.idx.msk [tilespmem:v57+s24+$0x0], $0xffff;
	v32 =	vmul.f32 $8.000000000e+00, v59;
	v26 =	vadd.f32 v42, v19;
	[tilespmem:s20+$0x1C0] =	vst v22  }
0x15d: {  	v48 =	vadd.s32 s9, v23;
	v47 =	vmul.f32 $8.000000000e+00, v35;
	v49 =	vadd.f32 v45, v20;
	[tilespmem:s20+$0xFFFFFEC0] =	vst v44;
	v50 =	vld.idx.msk [tilespmem:v61+s24+$0x0], $0xffff  }
0x15e: {  	v53 =	vadd.s32 s11, v23;
	v52 =	vmul.f32 $8.000000000e+00, v36;
	v56 =	vadd.f32 v32, v30;
	[tilespmem:s20+$0xFFFFFF40] =	vst v26;
	v34 =	vld.idx.msk [tilespmem:v41+s24+$0x0], $0xffff  }
0x15f: {  	v55 =	vadd.s32 s28, v23;
	v54 =	vmul.f32 $8.000000000e+00, v25;
	v22 =	vadd.f32 v47, v21;
	[tilespmem:s20+$0xFFFFFFC0] =	vst v49;
	v37 =	vld.idx.msk [tilespmem:v43+s24+$0x0], $0xffff  }
0x160: {  	v57 =	vadd.s32 s29, v18;
	v31 =	vmul.f32 $8.000000000e+00, v31;
	v58 =	vadd.f32 v52, v27;
	[tilespmem:s20+$0xC0] =	vst v56;
	v38 =	vld.idx.msk [tilespmem:v46+s24+$0x0], $0xffff  }
0x161: {  	v59 =	vadd.s32 s30, v18;
	v28 =	vmul.f32 $8.000000000e+00, v28;
	v15 =	vadd.f32 v54, v12;
	v25 =	vld.idx.msk [tilespmem:v51+s24+$0x0], $0xffff;
	[tilespmem:s20+$0x40] =	vst v22  }
0x162: {  	v60 =	vadd.f32 v31, v13;
	v61 =	vadd.s32 s21, v24;
	[tilespmem:s20+$0x140] =	vst v58;
	v35 =	vld.idx.msk [tilespmem:v48+s24+$0x0], $0xffff;
	v16 =	vmul.f32 $8.000000000e+00, v50  }
0x163: {  	v39 =	vadd.s32 s3, v24;
	v62 =	vadd.f32 v28, v14;
	[tilespmem:s20+$0xFFFFFE40] =	vst v15;
	v40 =	vld.idx.msk [tilespmem:v53+s24+$0x0], $0xffff;
	v63 =	vmul.f32 $8.000000000e+00, v34  }
0x164: {  	v43 =	vadd.s32 s7, v24;
	[tilespmem:s16+$0xFFFFFF70] =	vst v60;
	v41 =	vld.idx.msk [tilespmem:v55+s24+$0x0], $0xffff;
	v42 =	vmul.f32 $8.000000000e+00, v37;
	v16 =	vadd.f32 v16, v29  }
0x165: {  	v32 =	vld.idx.msk [tilespmem:v57+s24+$0x0], $0xffff;
	v46 =	vadd.s32 s8, v24;
	[tilespmem:s16+$0xFFFFFFF0] =	vst v62;
	v45 =	vmul.f32 $8.000000000e+00, v38;
	v44 =	vadd.f32 v63, v17  }
0x166: {  	v52 =	vadd.s32 s19, v24;
	v26 =	vld.idx.msk [tilespmem:v59+s24+$0x0], $0xffff;
	v51 =	vmul.f32 $8.000000000e+00, v25;
	v23 =	vadd.f32 v42, v19;
	[tilespmem:s20+$0x1D0] =	vst v16  }
0x167: {  	v48 =	vadd.s32 s9, v24;
	v47 =	vmul.f32 $8.000000000e+00, v35;
	v49 =	vadd.f32 v45, v20;
	[tilespmem:s20+$0xFFFFFED0] =	vst v44;
	v50 =	vld.idx.msk [tilespmem:v61+s24+$0x0], $0xffff  }
0x168: {  	v54 =	vadd.s32 s11, v24;
	v53 =	vmul.f32 $8.000000000e+00, v40;
	v56 =	vadd.f32 v51, v30;
	[tilespmem:s20+$0xFFFFFF50] =	vst v23;
	v28 =	vld.idx.msk [tilespmem:v39+s24+$0x0], $0xffff  }
0x169: {  	v55 =	vadd.s32 s28, v24;
	v13 =	vmul.f32 $8.000000000e+00, v41;
	v16 =	vadd.f32 v47, v21;
	[tilespmem:s20+$0xFFFFFFD0] =	vst v49;
	v33 =	vld.idx.msk [tilespmem:v43+s24+$0x0], $0xffff  }
0x16a: {  	v57 =	vadd.s32 s26, v18;
	v32 =	vmul.f32 $8.000000000e+00, v32;
	v58 =	vadd.f32 v53, v27;
	[tilespmem:s20+$0xD0] =	vst v56;
	v34 =	vld.idx.msk [tilespmem:v46+s24+$0x0], $0xffff  }
0x16b: {  	v59 =	vadd.s32 s25, v18;
	v26 =	vmul.f32 $8.000000000e+00, v26;
	v13 =	vadd.f32 v13, v12;
	v14 =	vld.idx.msk [tilespmem:v52+s24+$0x0], $0xffff;
	[tilespmem:s20+$0x50] =	vst v16  }
0x16c: {  	v60 =	vadd.f32 v32, v10;
	v61 =	vadd.s32 s21, v18;
	[tilespmem:s20+$0x150] =	vst v58;
	v35 =	vld.idx.msk [tilespmem:v48+s24+$0x0], $0xffff;
	v15 =	vmul.f32 $8.000000000e+00, v50  }
0x16d: {  	v62 =	vadd.f32 v26, v11;
	v63 =	vadd.s32 s3, v18;
	[tilespmem:s20+$0xFFFFFE50] =	vst v13;
	v37 =	vld.idx.msk [tilespmem:v54+s24+$0x0], $0xffff;
	v36 =	vmul.f32 $8.000000000e+00, v28  }
0x16e: {  	v38 =	vadd.s32 s7, v18;
	[tilespmem:s16+$0x70] =	vst v60;
	v24 =	vld.idx.msk [tilespmem:v55+s24+$0x0], $0xffff;
	v39 =	vmul.f32 $8.000000000e+00, v33;
	v15 =	vadd.f32 v15, v29  }
0x16f: {  	v22 =	vld.idx.msk [tilespmem:v57+s24+$0x0], $0xffff;
	v40 =	vadd.s32 s8, v18;
	[tilespmem:s16+$0xF0] =	vst v62;
	v41 =	vmul.f32 $8.000000000e+00, v34;
	v13 =	vadd.f32 v36, v17  }
0x170: {  	v23 =	vld.idx.msk [tilespmem:v59+s24+$0x0], $0xffff;
	v44 =	vadd.s32 s19, v18;
	v14 =	vmul.f32 $8.000000000e+00, v14;
	v28 =	vadd.f32 v39, v19;
	[tilespmem:s20+$0x1E0] =	vst v15  }
0x171: {  	v42 =	vadd.s32 s9, v18;
	v43 =	vmul.f32 $8.000000000e+00, v35;
	v45 =	vadd.f32 v41, v20;
	[tilespmem:s20+$0xFFFFFEE0] =	vst v13;
	v16 =	vld.idx.msk [tilespmem:v61+s24+$0x0], $0xffff  }
0x172: {  	v46 =	vadd.s32 s11, v18;
	v26 =	vmul.f32 $8.000000000e+00, v37;
	v47 =	vadd.f32 v14, v30;
	[tilespmem:s20+$0xFFFFFF60] =	vst v28;
	v25 =	vld.idx.msk [tilespmem:v63+s24+$0x0], $0xffff  }
0x173: {  	v49 =	vadd.s32 s28, v18;
	v48 =	vmul.f32 $8.000000000e+00, v24;
	v15 =	vadd.f32 v43, v21;
	[tilespmem:s20+$0xFFFFFFE0] =	vst v45;
	v10 =	vld.idx.msk [tilespmem:v38+s24+$0x0], $0xffff  }
0x174: {  	v22 =	vmul.f32 $8.000000000e+00, v22;
	v50 =	vadd.f32 v26, v27;
	[tilespmem:s20+$0xE0] =	vst v47;
	v11 =	vld.idx.msk [tilespmem:v40+s24+$0x0], $0xffff  }
0x175: {  	v23 =	vmul.f32 $8.000000000e+00, v23;
	v52 =	vadd.f32 v48, v12;
	v54 =	vld.idx.msk [tilespmem:v44+s24+$0x0], $0xffff;
	[tilespmem:s20+$0x60] =	vst v15  }
0x176: {  	v53 =	vadd.f32 v22, v9;
	[tilespmem:s20+$0x160] =	vst v50;
	v51 =	vld.idx.msk [tilespmem:v42+s24+$0x0], $0xffff;
	v16 =	vmul.f32 $8.000000000e+00, v16  }
0x177: {  	v8 =	vadd.f32 v23, v8;
	[tilespmem:s20+$0xFFFFFE60] =	vst v52;
	v56 =	vld.idx.msk [tilespmem:v46+s24+$0x0], $0xffff;
	v55 =	vmul.f32 $8.000000000e+00, v25  }
0x178: {  	[tilespmem:s16+$0x170] =	vst v53;
	v59 =	vld.idx.msk [tilespmem:v49+s24+$0x0], $0xffff;
	v57 =	vmul.f32 $8.000000000e+00, v10;
	v58 =	vadd.f32 v16, v29  }
0x179: {  	[tilespmem:s16+$0xFFFFFE70] =	vst v8;
	v11 =	vmul.f32 $8.000000000e+00, v11;
	v8 =	vadd.f32 v55, v17  }
0x17a: {  	v14 =	vmul.f32 $8.000000000e+00, v54;
	v9 =	vadd.f32 v57, v19;
	[tilespmem:s20+$0x1F0] =	vst v58  }
0x17b: {  	v60 =	vmul.f32 $8.000000000e+00, v51;
	v11 =	vadd.f32 v11, v20;
	[tilespmem:s20+$0xFFFFFEF0] =	vst v8  }
0x17c: {  	s31 =	sshll.u32 s22, $0x12;
	s22 =	sadd.s32 $0x1, s22;
	v61 =	vmul.f32 $8.000000000e+00, v56;
	v62 =	vadd.f32 v14, v30;
	[tilespmem:s20+$0xFFFFFF70] =	vst v9  }
0x17d: {  	p1 =	sne.s32 s22, $0xC8;
	v63 =	vmul.f32 $8.000000000e+00, v59;
	v8 =	vadd.f32 v60, v21;
	[tilespmem:s20+$0xFFFFFFF0] =	vst v11  }
.Ltmp4:
0x17e: {  	v10 =	vadd.f32 v61, v27;
	[tilespmem:s20+$0xF0] =	vst v62;
	(pc) =	sbr.rel @p1 .LBB2_2-.Ltmp4, $4  }
.Ltmp5:
0x17f: {  	s0 =	sor.u32 s5, s31;
	[tilespmem:s20+$0x70] =	vst v8;
	v8 =	vadd.f32 v63, v12;
	(pc) =	sbr.rel @!p1 .LBB2_10-.Ltmp5, $4  }
0x180: {  	s0 =	sshrl.u32 s0, $0x3;
	[tilespmem:s20+$0x170] =	vst v10  }
0x181: {  	s1 =	sor.u32 $0x6, s23;
	p0 =	por !p0, !p0;
	s0 =	sadd.s32 s2, s0;
	[tilespmem:s20+$0xFFFFFE70] =	vst v8  }
0x182: {  	[hbm4b:s0+s17] =	stream.strided.scatter [tilespmem:s13], [sflag:s1], $0x2000, s18, s17, $0x38;
	[tilespmem:$0x17000] =	vst v63  }
0x183: {  	_ = 	snop  }
.LBB2_4:
0x184: {  	p1 =	sgt.u32 s22, $0xC5  }
.Ltmp6:
0x185: {  	_ = 	snop;
	(pc) =	sbr.rel @p1 .LBB2_7-.Ltmp6, $1  }
0x186: {  	_ =	sdelay $0x3  }
.Ltmp7:
0x187: {  	p1 =	sne.s32 s3, $0x6;
	(pc) =	sbr.rel .LBB2_6-.Ltmp7, $4  }
0x188: {  	s3 =	sadd.s32 @!p1 $0x1, s1  }
0x189: {  	_ =	swait.ge @!p1 [sflag:s3], $0x400  }
0x18a: {  	[sflag:s3] =	ssyncset.done @!p1 $0x0  }
0x18b: {  	[sflag:s3] =	ssyncadd.s32 @!p1 $0xFFFFFC00  }
.LBB2_11:
0x18c: {  	_ =	sfence.sel $0x180000  }
0x18d: {  	[bflag:$0x0] =	sbarrier.arrive $0xFFFF  }
0x18e: {  	_ =	strace $0x90000047  }
0x18f: {  	s0 =	stileid.u32;
	[bflag:$0x2] =	sbarrier.arrive $0xFFFF  }
0x190: {  	p0 =	sne.s32 s0, $0x0;
	s0 =	rddreg [dreg:$0x3]  }
0x191: {  	s0 =	sadd.s32 @!p0 $0x100000, s0  }
0x192: {  	[sflag:s0] =	ssyncadd.tile.s32 @!p0 $0x1;
	_ =	shalt  }
.Lfunc_end2:
_tile_overlayer_lowered:
.L_overlay_start_2:
0x193: {  	(tag) =	ssettag $0x2  }
0x194: {  	s0 =	rddreg [dreg:$0x0];
	s2 =	stileid.u32  }
0x195: {  	s1 =	rddreg [dreg:$0x1];
	p0 =	sne.s32 s2, $0x0  }
0x196: {  	s3 =	rddreg [dreg:$0x2];
	[bflag:$0x3] =	sbarrier.arrive $0xFFFF;
	s2 =	simm.s32 @!p0 $0x1C08  }
0x197: {  	[timem:s3], [sflag:s2] =	dma.local @!p0 [hbm:s0], s1  }
0x198: {  	s0 =	simm.s32 @!p0 $0x8  }
0x199: {  	_ =	swait.ge @!p0 [sflag:s0], s1  }
0x19a: {  	s1 =	ssub.s32 @!p0 $0x0, s1;
	[sflag:s0] =	ssyncset.done @!p0 $0x0  }
0x19b: {  	[sflag:s0] =	ssyncadd.s32 @!p0 s1  }
0x19c: {  	[bflag:$0x3] =	sbarrier.arrive $0xFFFF  }
0x19d: {  	_ =	shalt  }

</sc_bundles>
